<compile_context>
chip_gen: v7x
topology: tpu7x:2x2x1
jax: 0.10.2.dev20260603
libtpu: 0.0.44.dev20260713+nightly
codegen_flags: <defaults>
</compile_context>

<pallas_src>
import functools
import jax
import jax.numpy as jnp
from jax import lax
from jax.experimental import pallas as pl
from jax.experimental.pallas import tpu as pltpu
from jax.experimental.pallas import tpu_sc as plsc

_B = 8192
_D = 2048
_K = 64
_BM = 1024
_NW = 32
_BPW = _B // _NW


def _selector(aux_ref, x_ref, u_ref, tb_ref, b1_ref, w2_ref, b2_ref,
              db1_ref, db2_ref, idx_ref, dec_out_ref, dec_ref):
    @pl.when(pl.program_id(0) == 0)
    def _():
        t = tb_ref[...]
        h2 = jnp.dot(t, aux_ref[2048:3072, 0:32],
                     preferred_element_type=jnp.float32)
        h2 = jnp.maximum(h2 + db1_ref[...], 0.0)
        dec_ref[...] = jnp.dot(h2, aux_ref[3072:3104, 0:1],
                               preferred_element_type=jnp.float32) + db2_ref[...]

    x = x_ref[...]
    h = jnp.dot(x, aux_ref[0:2048, 0:64],
                preferred_element_type=jnp.float32)
    h = jnp.maximum(h + b1_ref[...], 0.0)
    logits = jnp.dot(h, w2_ref[...],
                     preferred_element_type=jnp.float32) + b2_ref[...]
    boosted = logits + 1.0
    g = -jnp.log(-jnp.log(u_ref[...]))
    s = boosted + g

    m = jnp.max(s, axis=-1, keepdims=True)
    iota = lax.broadcasted_iota(jnp.int32, s.shape, 1)
    first = jnp.min(jnp.where(s == m, iota, _K), axis=-1, keepdims=True)
    idx_ref[...] = first.reshape(_BM)
    dec_out_ref[...] = dec_ref[...].reshape(_K)


def _gather16(vec, ids):
    dn = lax.GatherDimensionNumbers(offset_dims=(), collapsed_slice_dims=(0,),
                                    start_index_map=(0,))
    return lax.gather(vec, ids[:, None], dn, slice_sizes=(1,),
                      mode=lax.GatherScatterMode.PROMISE_IN_BOUNDS)


def _sc_gather(idx_hbm, table_hbm, out_hbm, idx_v, table_v, out_v):
    wid = lax.axis_index("s") * 2 + lax.axis_index("c")
    base = wid * _BPW
    pltpu.sync_copy(table_hbm, table_v)
    pltpu.sync_copy(idx_hbm.at[pl.ds(base, _BPW)], idx_v)
    t = [table_v[pl.ds(16 * q, 16)] for q in range(4)]
    for i in range(_BPW // 16):
        ids = idx_v[pl.ds(i * 16, 16)]
        val = _gather16(t[0], ids & 15)
        for q in range(1, 4):
            gq = _gather16(t[q], ids & 15)
            val = jnp.where(ids >= 16 * q, gq, val)
        out_v[pl.ds(i * 16, 16)] = val


def kernel(x, gumbel_u, thought_bank, sel_w1, sel_b1, sel_w2, sel_b2,
           dec_w1, dec_b1, dec_w2, dec_b2):
    aux = jnp.concatenate([
        jnp.pad(sel_w1, ((0, 0), (0, 64))),
        jnp.pad(dec_w1, ((0, 0), (0, 96))),
        jnp.pad(dec_w2, ((0, 0), (0, 127))),
    ], axis=0)
    grid = (_B // _BM,)
    idx, decoded = pl.pallas_call(
        _selector,
        grid=grid,
        in_specs=[
            pl.BlockSpec((3104, 128), lambda i: (0, 0)),
            pl.BlockSpec((_BM, _D), lambda i: (i, 0)),
            pl.BlockSpec((_BM, _K), lambda i: (i, 0)),
            pl.BlockSpec((_K, 1024), lambda i: (0, 0)),
            pl.BlockSpec((1, _K), lambda i: (0, 0)),
            pl.BlockSpec((_K, _K), lambda i: (0, 0)),
            pl.BlockSpec((1, _K), lambda i: (0, 0)),
            pl.BlockSpec((1, 32), lambda i: (0, 0)),
            pl.BlockSpec((1, 1), lambda i: (0, 0)),
        ],
        out_specs=[
            pl.BlockSpec((_BM,), lambda i: (i,)),
            pl.BlockSpec((_K,), lambda i: (0,)),
        ],
        out_shape=[
            jax.ShapeDtypeStruct((_B,), jnp.int32),
            jax.ShapeDtypeStruct((_K,), jnp.float32),
        ],
        scratch_shapes=[pltpu.VMEM((_K, 1), jnp.float32)],
    )(aux, x, gumbel_u, thought_bank, sel_b1.reshape(1, _K), sel_w2,
      sel_b2.reshape(1, _K), dec_b1.reshape(1, 32), dec_b2.reshape(1, 1))

    mesh = plsc.VectorSubcoreMesh(core_axis_name="c", subcore_axis_name="s")
    gather = functools.partial(
        pl.kernel,
        mesh=mesh,
        out_type=jax.ShapeDtypeStruct((_B,), jnp.float32),
        scratch_types=[
            pltpu.VMEM((_BPW,), jnp.int32),
            pltpu.VMEM((_K,), jnp.float32),
            pltpu.VMEM((_BPW,), jnp.float32),
        ],
    )(_sc_gather)
    return gather(idx, decoded)

# --- scband reference (transcript-rebuilt; emitter-appended) ---
"""Pipeline reference for scband-curious-selector-agent-19894288515340 (READ-ONLY COPY).

The authoritative reference and input builder live on the scoring server;
editing this copy changes nothing except your own understanding.
"""

import jax, jax.numpy as jnp
import numpy as np

B = 8192
INPUT_DIM = 2048
LATENT_DIM = 1024
NUM_THOUGHTS = 64
TEMPERATURE = 0.5


def setup_inputs(seed: int = 0) -> dict:
    key = jax.random.key(seed)
    ks = jax.random.split(key, 12)
    x = jax.random.normal(ks[0], (B, INPUT_DIM), dtype=jnp.float32)
    # uniform noise for gumbel sampling (clipped away from 0)
    gumbel_u = jax.random.uniform(ks[1], (B, NUM_THOUGHTS), dtype=jnp.float32, minval=1e-8, maxval=1.0)
    # learned parameters
    thought_bank = jax.random.normal(ks[2], (NUM_THOUGHTS, LATENT_DIM), dtype=jnp.float32)
    sel_w1 = jax.random.normal(ks[3], (INPUT_DIM, 64), dtype=jnp.float32) * (1.0 / np.sqrt(INPUT_DIM))
    sel_b1 = jnp.zeros((64,), dtype=jnp.float32)
    sel_w2 = jax.random.normal(ks[4], (64, NUM_THOUGHTS), dtype=jnp.float32) * (1.0 / np.sqrt(64))
    sel_b2 = jnp.zeros((NUM_THOUGHTS,), dtype=jnp.float32)
    dec_w1 = jax.random.normal(ks[5], (LATENT_DIM, 32), dtype=jnp.float32) * (1.0 / np.sqrt(LATENT_DIM))
    dec_b1 = jnp.zeros((32,), dtype=jnp.float32)
    dec_w2 = jax.random.normal(ks[6], (32, 1), dtype=jnp.float32) * (1.0 / np.sqrt(32))
    dec_b2 = jnp.zeros((1,), dtype=jnp.float32)
    return {"x": x, "gumbel_u": gumbel_u, "thought_bank": thought_bank,
            "sel_w1": sel_w1, "sel_b1": sel_b1, "sel_w2": sel_w2, "sel_b2": sel_b2,
            "dec_w1": dec_w1, "dec_b1": dec_b1, "dec_w2": dec_w2, "dec_b2": dec_b2}


def reference(x, gumbel_u, thought_bank, sel_w1, sel_b1, sel_w2, sel_b2, dec_w1, dec_b1, dec_w2, dec_b2):
    # selector MLP: Linear(input_dim, 64) -> ReLU -> Linear(64, num_thoughts)
    h = jax.nn.relu(x @ sel_w1 + sel_b1)
    logits = h @ sel_w2 + sel_b2
    # training=True path: usage_counts buffer starts at zeros -> curiosity bonus = 1/(1+0) = 1
    usage_counts = jnp.zeros((logits.shape[-1],), dtype=jnp.float32)
    curiosity_bonus = 1.0 / (1.0 + usage_counts)
    boosted_logits = logits + curiosity_bonus
    # softmax distr (computed in torch forward, printed only)
    distr = jax.nn.softmax(boosted_logits, axis=-1)
    # gumbel_softmax(tau=TEMPERATURE, hard=True)
    gumbels = -jnp.log(-jnp.log(gumbel_u))
    y_soft = jax.nn.softmax((boosted_logits + gumbels) / TEMPERATURE, axis=-1)
    idx = jnp.argmax(y_soft, axis=-1)
    y_hard = jax.nn.one_hot(idx, y_soft.shape[-1], dtype=y_soft.dtype)
    gumbel_weights = y_hard - jax.lax.stop_gradient(y_soft) + y_soft
    # select thought: [B, K] @ [K, latent_dim]
    selected_thought = gumbel_weights @ thought_bank
    # decoder MLP: Linear(latent_dim, 32) -> ReLU -> Linear(32, 1)
    h2 = jax.nn.relu(selected_thought @ dec_w1 + dec_b1)
    out = h2 @ dec_w2 + dec_b2
    return out[:, 0]

if __name__ == "__main__":
    import jax
    _d = setup_inputs()
    print(jax.jit(kernel)(*tuple(_d.values())))

</pallas_src>

<mosaic_0001>
#map = affine_map<(d0, d1) -> (0)>
module attributes {stable_mosaic.version = 14 : i64} {
  func.func @_sc_gather(%arg0: i32, %arg1: i32, %arg2: memref<8192xi32, #tpu.memory_space<hbm>>, %arg3: memref<64xf32, #tpu.memory_space<hbm>>, %arg4: memref<8192xf32, #tpu.memory_space<hbm>>, %arg5: memref<256xi32, #tpu.memory_space<vmem>>, %arg6: memref<64xf32, #tpu.memory_space<vmem>>, %arg7: memref<256xf32, #tpu.memory_space<vmem>>) attributes {dimension_semantics = [#tpu.dimension_semantics<core_parallel>, #tpu.dimension_semantics<subcore_parallel>], iteration_bounds = array<i64: 2, 16>, scalar_prefetch = 0 : i64, scratch_operands = 3 : i64, tpu.core_type = #tpu.core_type<sc_vector_subcore>, window_params = [{transform_indices = #map}, {transform_indices = #map}, {transform_indices = #map}]} {
    %mul3A = arith.constant 2 : i32
    %mul3A_0 = arith.muli %arg1, %mul3A : i32
    %add3A = arith.addi %mul3A_0, %arg0 : i32
    %mul3A_1 = arith.constant 256 : i32
    %mul3A_2 = arith.muli %add3A, %mul3A_1 : i32
    "tpu.region"() ({
      %run_scoped3A = tpu.sem_alloc : memref<!tpu.dma_semaphore, #tpu.memory_space<semaphore_mem>>
      tpu.enqueue_dma source(%arg3 : memref<64xf32, #tpu.memory_space<hbm>>) target(%arg6 : memref<64xf32, #tpu.memory_space<vmem>>) target_semaphore(%run_scoped3A : memref<!tpu.dma_semaphore, #tpu.memory_space<semaphore_mem>>)
      tpu.wait_dma2 semaphore(%run_scoped3A : memref<!tpu.dma_semaphore, #tpu.memory_space<semaphore_mem>>) src(%arg3 : memref<64xf32, #tpu.memory_space<hbm>>) dst(%arg6 : memref<64xf32, #tpu.memory_space<vmem>>)
      tpu.yield
    }) : () -> ()
    "tpu.region"() ({
      %run_scoped3A = tpu.sem_alloc : memref<!tpu.dma_semaphore, #tpu.memory_space<semaphore_mem>>
      %dma_start3A = tpu.memref_slice %arg2[%mul3A_2] : memref<8192xi32, #tpu.memory_space<hbm>> -> memref<256xi32, #tpu.memory_space<hbm>>
      %dma_start3A_696 = tpu.memref_slice %arg2[%mul3A_2] : memref<8192xi32, #tpu.memory_space<hbm>> -> memref<256xi32, #tpu.memory_space<hbm>>
      tpu.enqueue_dma source(%dma_start3A_696 : memref<256xi32, #tpu.memory_space<hbm>>) target(%arg5 : memref<256xi32, #tpu.memory_space<vmem>>) target_semaphore(%run_scoped3A : memref<!tpu.dma_semaphore, #tpu.memory_space<semaphore_mem>>)
      %dma_wait3A = tpu.memref_slice %arg2[%mul3A_2] : memref<8192xi32, #tpu.memory_space<hbm>> -> memref<256xi32, #tpu.memory_space<hbm>>
      %dma_wait3A_697 = tpu.memref_slice %arg2[%mul3A_2] : memref<8192xi32, #tpu.memory_space<hbm>> -> memref<256xi32, #tpu.memory_space<hbm>>
      tpu.wait_dma2 semaphore(%run_scoped3A : memref<!tpu.dma_semaphore, #tpu.memory_space<semaphore_mem>>) src(%dma_wait3A_697 : memref<256xi32, #tpu.memory_space<hbm>>) dst(%arg5 : memref<256xi32, #tpu.memory_space<vmem>>)
      tpu.yield
    }) : () -> ()
    %get3A = arith.constant 0 : index
    %get3A_3 = tpu.vector_load %arg6[%get3A] {strides = array<i32>} : memref<64xf32, #tpu.memory_space<vmem>>, vector<16xf32>,
    %get3A_4 = vector.shape_cast %get3A_3 : vector<16xf32> to vector<16xf32>
    %get3A_5 = arith.constant 16 : index
    %get3A_6 = tpu.vector_load %arg6[%get3A_5] {strides = array<i32>} : memref<64xf32, #tpu.memory_space<vmem>>, vector<16xf32>,
    %get3A_7 = vector.shape_cast %get3A_6 : vector<16xf32> to vector<16xf32>
    %get3A_8 = arith.constant 32 : index
    %get3A_9 = tpu.vector_load %arg6[%get3A_8] {strides = array<i32>} : memref<64xf32, #tpu.memory_space<vmem>>, vector<16xf32>,
    %get3A_10 = vector.shape_cast %get3A_9 : vector<16xf32> to vector<16xf32>
    %get3A_11 = arith.constant 48 : index
    %get3A_12 = tpu.vector_load %arg6[%get3A_11] {strides = array<i32>} : memref<64xf32, #tpu.memory_space<vmem>>, vector<16xf32>,
    %get3A_13 = vector.shape_cast %get3A_12 : vector<16xf32> to vector<16xf32>
    %get3A_14 = arith.constant 0 : index
    %get3A_15 = tpu.vector_load %arg5[%get3A_14] {strides = array<i32>} : memref<256xi32, #tpu.memory_space<vmem>>, vector<16xi32>,
    %get3A_16 = vector.shape_cast %get3A_15 : vector<16xi32> to vector<16xi32>
    %and3A = arith.constant 15 : i32
    %and3A_17 = vector.broadcast %and3A : i32 to vector<16xi32>
    %and3A_18 = arith.andi %get3A_16, %and3A_17 : vector<16xi32>
    %broadcast_in_dim3A = vector.shape_cast %and3A_18 : vector<16xi32> to vector<16x1xi32>
    %gather3A = vector.shape_cast %broadcast_in_dim3A : vector<16x1xi32> to vector<16xi32>
    %gather3A_19 = tpu.dynamic_gather %get3A_4[%gather3A] in [0] : vector<16xf32>, vector<16xi32> -> vector<16xf32>
    %and3A_20 = arith.constant 15 : i32
    %and3A_21 = vector.broadcast %and3A_20 : i32 to vector<16xi32>
    %and3A_22 = arith.andi %get3A_16, %and3A_21 : vector<16xi32>
    %broadcast_in_dim3A_23 = vector.shape_cast %and3A_22 : vector<16xi32> to vector<16x1xi32>
    %gather3A_24 = vector.shape_cast %broadcast_in_dim3A_23 : vector<16x1xi32> to vector<16xi32>
    %gather3A_25 = tpu.dynamic_gather %get3A_7[%gather3A_24] in [0] : vector<16xf32>, vector<16xi32> -> vector<16xf32>
    %ge3A = arith.constant 16 : i32
    %ge3A_26 = vector.broadcast %ge3A : i32 to vector<16xi32>
    %ge3A_27 = arith.cmpi sge, %get3A_16, %ge3A_26 : vector<16xi32>
    %select_n3A = arith.select %ge3A_27, %gather3A_25, %gather3A_19 : vector<16xi1>, vector<16xf32>
    %and3A_28 = arith.constant 15 : i32
    %and3A_29 = vector.broadcast %and3A_28 : i32 to vector<16xi32>
    %and3A_30 = arith.andi %get3A_16, %and3A_29 : vector<16xi32>
    %broadcast_in_dim3A_31 = vector.shape_cast %and3A_30 : vector<16xi32> to vector<16x1xi32>
    %gather3A_32 = vector.shape_cast %broadcast_in_dim3A_31 : vector<16x1xi32> to vector<16xi32>
    %gather3A_33 = tpu.dynamic_gather %get3A_10[%gather3A_32] in [0] : vector<16xf32>, vector<16xi32> -> vector<16xf32>
    %ge3A_34 = arith.constant 32 : i32
    %ge3A_35 = vector.broadcast %ge3A_34 : i32 to vector<16xi32>
    %ge3A_36 = arith.cmpi sge, %get3A_16, %ge3A_35 : vector<16xi32>
    %select_n3A_37 = arith.select %ge3A_36, %gather3A_33, %select_n3A : vector<16xi1>, vector<16xf32>
    %and3A_38 = arith.constant 15 : i32
    %and3A_39 = vector.broadcast %and3A_38 : i32 to vector<16xi32>
    %and3A_40 = arith.andi %get3A_16, %and3A_39 : vector<16xi32>
    %broadcast_in_dim3A_41 = vector.shape_cast %and3A_40 : vector<16xi32> to vector<16x1xi32>
    %gather3A_42 = vector.shape_cast %broadcast_in_dim3A_41 : vector<16x1xi32> to vector<16xi32>
    %gather3A_43 = tpu.dynamic_gather %get3A_13[%gather3A_42] in [0] : vector<16xf32>, vector<16xi32> -> vector<16xf32>
    %ge3A_44 = arith.constant 48 : i32
    %ge3A_45 = vector.broadcast %ge3A_44 : i32 to vector<16xi32>
    %ge3A_46 = arith.cmpi sge, %get3A_16, %ge3A_45 : vector<16xi32>
    %select_n3A_47 = arith.select %ge3A_46, %gather3A_43, %select_n3A_37 : vector<16xi1>, vector<16xf32>
    %swap3A = arith.constant 0 : index
    %swap3A_48 = tpu.vector_load %arg7[%swap3A] {strides = array<i32>} : memref<256xf32, #tpu.memory_space<vmem>>, vector<16xf32>,
    %swap3A_49 = vector.shape_cast %swap3A_48 : vector<16xf32> to vector<16xf32>
    %swap3A_50 = vector.shape_cast %select_n3A_47 : vector<16xf32> to vector<16xf32>
    tpu.vector_store %arg7[%swap3A], %swap3A_50 {strides = array<i32>} : memref<256xf32, #tpu.memory_space<vmem>>, vector<16xf32>,
    %get3A_51 = arith.constant 16 : index
    %get3A_52 = tpu.vector_load %arg5[%get3A_51] {strides = array<i32>} : memref<256xi32, #tpu.memory_space<vmem>>, vector<16xi32>,
    %get3A_53 = vector.shape_cast %get3A_52 : vector<16xi32> to vector<16xi32>
    %and3A_54 = arith.constant 15 : i32
    %and3A_55 = vector.broadcast %and3A_54 : i32 to vector<16xi32>
    %and3A_56 = arith.andi %get3A_53, %and3A_55 : vector<16xi32>
    %broadcast_in_dim3A_57 = vector.shape_cast %and3A_56 : vector<16xi32> to vector<16x1xi32>
    %gather3A_58 = vector.shape_cast %broadcast_in_dim3A_57 : vector<16x1xi32> to vector<16xi32>
    %gather3A_59 = tpu.dynamic_gather %get3A_4[%gather3A_58] in [0] : vector<16xf32>, vector<16xi32> -> vector<16xf32>
    %and3A_60 = arith.constant 15 : i32
    %and3A_61 = vector.broadcast %and3A_60 : i32 to vector<16xi32>
    %and3A_62 = arith.andi %get3A_53, %and3A_61 : vector<16xi32>
    %broadcast_in_dim3A_63 = vector.shape_cast %and3A_62 : vector<16xi32> to vector<16x1xi32>
    %gather3A_64 = vector.shape_cast %broadcast_in_dim3A_63 : vector<16x1xi32> to vector<16xi32>
    %gather3A_65 = tpu.dynamic_gather %get3A_7[%gather3A_64] in [0] : vector<16xf32>, vector<16xi32> -> vector<16xf32>
    %ge3A_66 = arith.constant 16 : i32
    %ge3A_67 = vector.broadcast %ge3A_66 : i32 to vector<16xi32>
    %ge3A_68 = arith.cmpi sge, %get3A_53, %ge3A_67 : vector<16xi32>
    %select_n3A_69 = arith.select %ge3A_68, %gather3A_65, %gather3A_59 : vector<16xi1>, vector<16xf32>
    %and3A_70 = arith.constant 15 : i32
    %and3A_71 = vector.broadcast %and3A_70 : i32 to vector<16xi32>
    %and3A_72 = arith.andi %get3A_53, %and3A_71 : vector<16xi32>
    %broadcast_in_dim3A_73 = vector.shape_cast %and3A_72 : vector<16xi32> to vector<16x1xi32>
    %gather3A_74 = vector.shape_cast %broadcast_in_dim3A_73 : vector<16x1xi32> to vector<16xi32>
    %gather3A_75 = tpu.dynamic_gather %get3A_10[%gather3A_74] in [0] : vector<16xf32>, vector<16xi32> -> vector<16xf32>
    %ge3A_76 = arith.constant 32 : i32
    %ge3A_77 = vector.broadcast %ge3A_76 : i32 to vector<16xi32>
    %ge3A_78 = arith.cmpi sge, %get3A_53, %ge3A_77 : vector<16xi32>
    %select_n3A_79 = arith.select %ge3A_78, %gather3A_75, %select_n3A_69 : vector<16xi1>, vector<16xf32>
    %and3A_80 = arith.constant 15 : i32
    %and3A_81 = vector.broadcast %and3A_80 : i32 to vector<16xi32>
    %and3A_82 = arith.andi %get3A_53, %and3A_81 : vector<16xi32>
    %broadcast_in_dim3A_83 = vector.shape_cast %and3A_82 : vector<16xi32> to vector<16x1xi32>
    %gather3A_84 = vector.shape_cast %broadcast_in_dim3A_83 : vector<16x1xi32> to vector<16xi32>
    %gather3A_85 = tpu.dynamic_gather %get3A_13[%gather3A_84] in [0] : vector<16xf32>, vector<16xi32> -> vector<16xf32>
    %ge3A_86 = arith.constant 48 : i32
    %ge3A_87 = vector.broadcast %ge3A_86 : i32 to vector<16xi32>
    %ge3A_88 = arith.cmpi sge, %get3A_53, %ge3A_87 : vector<16xi32>
    %select_n3A_89 = arith.select %ge3A_88, %gather3A_85, %select_n3A_79 : vector<16xi1>, vector<16xf32>
    %swap3A_90 = arith.constant 16 : index
    %swap3A_91 = tpu.vector_load %arg7[%swap3A_90] {strides = array<i32>} : memref<256xf32, #tpu.memory_space<vmem>>, vector<16xf32>,
    %swap3A_92 = vector.shape_cast %swap3A_91 : vector<16xf32> to vector<16xf32>
    %swap3A_93 = vector.shape_cast %select_n3A_89 : vector<16xf32> to vector<16xf32>
    tpu.vector_store %arg7[%swap3A_90], %swap3A_93 {strides = array<i32>} : memref<256xf32, #tpu.memory_space<vmem>>, vector<16xf32>,
    %get3A_94 = arith.constant 32 : index
    %get3A_95 = tpu.vector_load %arg5[%get3A_94] {strides = array<i32>} : memref<256xi32, #tpu.memory_space<vmem>>, vector<16xi32>,
    %get3A_96 = vector.shape_cast %get3A_95 : vector<16xi32> to vector<16xi32>
    %and3A_97 = arith.constant 15 : i32
    %and3A_98 = vector.broadcast %and3A_97 : i32 to vector<16xi32>
    %and3A_99 = arith.andi %get3A_96, %and3A_98 : vector<16xi32>
    %broadcast_in_dim3A_100 = vector.shape_cast %and3A_99 : vector<16xi32> to vector<16x1xi32>
    %gather3A_101 = vector.shape_cast %broadcast_in_dim3A_100 : vector<16x1xi32> to vector<16xi32>
    %gather3A_102 = tpu.dynamic_gather %get3A_4[%gather3A_101] in [0] : vector<16xf32>, vector<16xi32> -> vector<16xf32>
    %and3A_103 = arith.constant 15 : i32
    %and3A_104 = vector.broadcast %and3A_103 : i32 to vector<16xi32>
    %and3A_105 = arith.andi %get3A_96, %and3A_104 : vector<16xi32>
    %broadcast_in_dim3A_106 = vector.shape_cast %and3A_105 : vector<16xi32> to vector<16x1xi32>
    %gather3A_107 = vector.shape_cast %broadcast_in_dim3A_106 : vector<16x1xi32> to vector<16xi32>
    %gather3A_108 = tpu.dynamic_gather %get3A_7[%gather3A_107] in [0] : vector<16xf32>, vector<16xi32> -> vector<16xf32>
    %ge3A_109 = arith.constant 16 : i32
    %ge3A_110 = vector.broadcast %ge3A_109 : i32 to vector<16xi32>
    %ge3A_111 = arith.cmpi sge, %get3A_96, %ge3A_110 : vector<16xi32>
    %select_n3A_112 = arith.select %ge3A_111, %gather3A_108, %gather3A_102 : vector<16xi1>, vector<16xf32>
    %and3A_113 = arith.constant 15 : i32
    %and3A_114 = vector.broadcast %and3A_113 : i32 to vector<16xi32>
    %and3A_115 = arith.andi %get3A_96, %and3A_114 : vector<16xi32>
    %broadcast_in_dim3A_116 = vector.shape_cast %and3A_115 : vector<16xi32> to vector<16x1xi32>
    %gather3A_117 = vector.shape_cast %broadcast_in_dim3A_116 : vector<16x1xi32> to vector<16xi32>
    %gather3A_118 = tpu.dynamic_gather %get3A_10[%gather3A_117] in [0] : vector<16xf32>, vector<16xi32> -> vector<16xf32>
    %ge3A_119 = arith.constant 32 : i32
    %ge3A_120 = vector.broadcast %ge3A_119 : i32 to vector<16xi32>
    %ge3A_121 = arith.cmpi sge, %get3A_96, %ge3A_120 : vector<16xi32>
    %select_n3A_122 = arith.select %ge3A_121, %gather3A_118, %select_n3A_112 : vector<16xi1>, vector<16xf32>
    %and3A_123 = arith.constant 15 : i32
    %and3A_124 = vector.broadcast %and3A_123 : i32 to vector<16xi32>
    %and3A_125 = arith.andi %get3A_96, %and3A_124 : vector<16xi32>
    %broadcast_in_dim3A_126 = vector.shape_cast %and3A_125 : vector<16xi32> to vector<16x1xi32>
    %gather3A_127 = vector.shape_cast %broadcast_in_dim3A_126 : vector<16x1xi32> to vector<16xi32>
    %gather3A_128 = tpu.dynamic_gather %get3A_13[%gather3A_127] in [0] : vector<16xf32>, vector<16xi32> -> vector<16xf32>
    %ge3A_129 = arith.constant 48 : i32
    %ge3A_130 = vector.broadcast %ge3A_129 : i32 to vector<16xi32>
    %ge3A_131 = arith.cmpi sge, %get3A_96, %ge3A_130 : vector<16xi32>
    %select_n3A_132 = arith.select %ge3A_131, %gather3A_128, %select_n3A_122 : vector<16xi1>, vector<16xf32>
    %swap3A_133 = arith.constant 32 : index
    %swap3A_134 = tpu.vector_load %arg7[%swap3A_133] {strides = array<i32>} : memref<256xf32, #tpu.memory_space<vmem>>, vector<16xf32>,
    %swap3A_135 = vector.shape_cast %swap3A_134 : vector<16xf32> to vector<16xf32>
    %swap3A_136 = vector.shape_cast %select_n3A_132 : vector<16xf32> to vector<16xf32>
    tpu.vector_store %arg7[%swap3A_133], %swap3A_136 {strides = array<i32>} : memref<256xf32, #tpu.memory_space<vmem>>, vector<16xf32>,
    %get3A_137 = arith.constant 48 : index
    %get3A_138 = tpu.vector_load %arg5[%get3A_137] {strides = array<i32>} : memref<256xi32, #tpu.memory_space<vmem>>, vector<16xi32>,
    %get3A_139 = vector.shape_cast %get3A_138 : vector<16xi32> to vector<16xi32>
    %and3A_140 = arith.constant 15 : i32
    %and3A_141 = vector.broadcast %and3A_140 : i32 to vector<16xi32>
    %and3A_142 = arith.andi %get3A_139, %and3A_141 : vector<16xi32>
    %broadcast_in_dim3A_143 = vector.shape_cast %and3A_142 : vector<16xi32> to vector<16x1xi32>
    %gather3A_144 = vector.shape_cast %broadcast_in_dim3A_143 : vector<16x1xi32> to vector<16xi32>
    %gather3A_145 = tpu.dynamic_gather %get3A_4[%gather3A_144] in [0] : vector<16xf32>, vector<16xi32> -> vector<16xf32>
    %and3A_146 = arith.constant 15 : i32
    %and3A_147 = vector.broadcast %and3A_146 : i32 to vector<16xi32>
    %and3A_148 = arith.andi %get3A_139, %and3A_147 : vector<16xi32>
    %broadcast_in_dim3A_149 = vector.shape_cast %and3A_148 : vector<16xi32> to vector<16x1xi32>
    %gather3A_150 = vector.shape_cast %broadcast_in_dim3A_149 : vector<16x1xi32> to vector<16xi32>
    %gather3A_151 = tpu.dynamic_gather %get3A_7[%gather3A_150] in [0] : vector<16xf32>, vector<16xi32> -> vector<16xf32>
    %ge3A_152 = arith.constant 16 : i32
    %ge3A_153 = vector.broadcast %ge3A_152 : i32 to vector<16xi32>
    %ge3A_154 = arith.cmpi sge, %get3A_139, %ge3A_153 : vector<16xi32>
    %select_n3A_155 = arith.select %ge3A_154, %gather3A_151, %gather3A_145 : vector<16xi1>, vector<16xf32>
    %and3A_156 = arith.constant 15 : i32
    %and3A_157 = vector.broadcast %and3A_156 : i32 to vector<16xi32>
    %and3A_158 = arith.andi %get3A_139, %and3A_157 : vector<16xi32>
    %broadcast_in_dim3A_159 = vector.shape_cast %and3A_158 : vector<16xi32> to vector<16x1xi32>
    %gather3A_160 = vector.shape_cast %broadcast_in_dim3A_159 : vector<16x1xi32> to vector<16xi32>
    %gather3A_161 = tpu.dynamic_gather %get3A_10[%gather3A_160] in [0] : vector<16xf32>, vector<16xi32> -> vector<16xf32>
    %ge3A_162 = arith.constant 32 : i32
    %ge3A_163 = vector.broadcast %ge3A_162 : i32 to vector<16xi32>
    %ge3A_164 = arith.cmpi sge, %get3A_139, %ge3A_163 : vector<16xi32>
    %select_n3A_165 = arith.select %ge3A_164, %gather3A_161, %select_n3A_155 : vector<16xi1>, vector<16xf32>
    %and3A_166 = arith.constant 15 : i32
    %and3A_167 = vector.broadcast %and3A_166 : i32 to vector<16xi32>
    %and3A_168 = arith.andi %get3A_139, %and3A_167 : vector<16xi32>
    %broadcast_in_dim3A_169 = vector.shape_cast %and3A_168 : vector<16xi32> to vector<16x1xi32>
    %gather3A_170 = vector.shape_cast %broadcast_in_dim3A_169 : vector<16x1xi32> to vector<16xi32>
    %gather3A_171 = tpu.dynamic_gather %get3A_13[%gather3A_170] in [0] : vector<16xf32>, vector<16xi32> -> vector<16xf32>
    %ge3A_172 = arith.constant 48 : i32
    %ge3A_173 = vector.broadcast %ge3A_172 : i32 to vector<16xi32>
    %ge3A_174 = arith.cmpi sge, %get3A_139, %ge3A_173 : vector<16xi32>
    %select_n3A_175 = arith.select %ge3A_174, %gather3A_171, %select_n3A_165 : vector<16xi1>, vector<16xf32>
    %swap3A_176 = arith.constant 48 : index
    %swap3A_177 = tpu.vector_load %arg7[%swap3A_176] {strides = array<i32>} : memref<256xf32, #tpu.memory_space<vmem>>, vector<16xf32>,
    %swap3A_178 = vector.shape_cast %swap3A_177 : vector<16xf32> to vector<16xf32>
    %swap3A_179 = vector.shape_cast %select_n3A_175 : vector<16xf32> to vector<16xf32>
    tpu.vector_store %arg7[%swap3A_176], %swap3A_179 {strides = array<i32>} : memref<256xf32, #tpu.memory_space<vmem>>, vector<16xf32>,
    %get3A_180 = arith.constant 64 : index
    %get3A_181 = tpu.vector_load %arg5[%get3A_180] {strides = array<i32>} : memref<256xi32, #tpu.memory_space<vmem>>, vector<16xi32>,
    %get3A_182 = vector.shape_cast %get3A_181 : vector<16xi32> to vector<16xi32>
    %and3A_183 = arith.constant 15 : i32
    %and3A_184 = vector.broadcast %and3A_183 : i32 to vector<16xi32>
    %and3A_185 = arith.andi %get3A_182, %and3A_184 : vector<16xi32>
    %broadcast_in_dim3A_186 = vector.shape_cast %and3A_185 : vector<16xi32> to vector<16x1xi32>
    %gather3A_187 = vector.shape_cast %broadcast_in_dim3A_186 : vector<16x1xi32> to vector<16xi32>
    %gather3A_188 = tpu.dynamic_gather %get3A_4[%gather3A_187] in [0] : vector<16xf32>, vector<16xi32> -> vector<16xf32>
    %and3A_189 = arith.constant 15 : i32
    %and3A_190 = vector.broadcast %and3A_189 : i32 to vector<16xi32>
    %and3A_191 = arith.andi %get3A_182, %and3A_190 : vector<16xi32>
    %broadcast_in_dim3A_192 = vector.shape_cast %and3A_191 : vector<16xi32> to vector<16x1xi32>
    %gather3A_193 = vector.shape_cast %broadcast_in_dim3A_192 : vector<16x1xi32> to vector<16xi32>
    %gather3A_194 = tpu.dynamic_gather %get3A_7[%gather3A_193] in [0] : vector<16xf32>, vector<16xi32> -> vector<16xf32>
    %ge3A_195 = arith.constant 16 : i32
    %ge3A_196 = vector.broadcast %ge3A_195 : i32 to vector<16xi32>
    %ge3A_197 = arith.cmpi sge, %get3A_182, %ge3A_196 : vector<16xi32>
    %select_n3A_198 = arith.select %ge3A_197, %gather3A_194, %gather3A_188 : vector<16xi1>, vector<16xf32>
    %and3A_199 = arith.constant 15 : i32
    %and3A_200 = vector.broadcast %and3A_199 : i32 to vector<16xi32>
    %and3A_201 = arith.andi %get3A_182, %and3A_200 : vector<16xi32>
    %broadcast_in_dim3A_202 = vector.shape_cast %and3A_201 : vector<16xi32> to vector<16x1xi32>
    %gather3A_203 = vector.shape_cast %broadcast_in_dim3A_202 : vector<16x1xi32> to vector<16xi32>
    %gather3A_204 = tpu.dynamic_gather %get3A_10[%gather3A_203] in [0] : vector<16xf32>, vector<16xi32> -> vector<16xf32>
    %ge3A_205 = arith.constant 32 : i32
    %ge3A_206 = vector.broadcast %ge3A_205 : i32 to vector<16xi32>
    %ge3A_207 = arith.cmpi sge, %get3A_182, %ge3A_206 : vector<16xi32>
    %select_n3A_208 = arith.select %ge3A_207, %gather3A_204, %select_n3A_198 : vector<16xi1>, vector<16xf32>
    %and3A_209 = arith.constant 15 : i32
    %and3A_210 = vector.broadcast %and3A_209 : i32 to vector<16xi32>
    %and3A_211 = arith.andi %get3A_182, %and3A_210 : vector<16xi32>
    %broadcast_in_dim3A_212 = vector.shape_cast %and3A_211 : vector<16xi32> to vector<16x1xi32>
    %gather3A_213 = vector.shape_cast %broadcast_in_dim3A_212 : vector<16x1xi32> to vector<16xi32>
    %gather3A_214 = tpu.dynamic_gather %get3A_13[%gather3A_213] in [0] : vector<16xf32>, vector<16xi32> -> vector<16xf32>
    %ge3A_215 = arith.constant 48 : i32
    %ge3A_216 = vector.broadcast %ge3A_215 : i32 to vector<16xi32>
    %ge3A_217 = arith.cmpi sge, %get3A_182, %ge3A_216 : vector<16xi32>
    %select_n3A_218 = arith.select %ge3A_217, %gather3A_214, %select_n3A_208 : vector<16xi1>, vector<16xf32>
    %swap3A_219 = arith.constant 64 : index
    %swap3A_220 = tpu.vector_load %arg7[%swap3A_219] {strides = array<i32>} : memref<256xf32, #tpu.memory_space<vmem>>, vector<16xf32>,
    %swap3A_221 = vector.shape_cast %swap3A_220 : vector<16xf32> to vector<16xf32>
    %swap3A_222 = vector.shape_cast %select_n3A_218 : vector<16xf32> to vector<16xf32>
    tpu.vector_store %arg7[%swap3A_219], %swap3A_222 {strides = array<i32>} : memref<256xf32, #tpu.memory_space<vmem>>, vector<16xf32>,
    %get3A_223 = arith.constant 80 : index
    %get3A_224 = tpu.vector_load %arg5[%get3A_223] {strides = array<i32>} : memref<256xi32, #tpu.memory_space<vmem>>, vector<16xi32>,
    %get3A_225 = vector.shape_cast %get3A_224 : vector<16xi32> to vector<16xi32>
    %and3A_226 = arith.constant 15 : i32
    %and3A_227 = vector.broadcast %and3A_226 : i32 to vector<16xi32>
    %and3A_228 = arith.andi %get3A_225, %and3A_227 : vector<16xi32>
    %broadcast_in_dim3A_229 = vector.shape_cast %and3A_228 : vector<16xi32> to vector<16x1xi32>
    %gather3A_230 = vector.shape_cast %broadcast_in_dim3A_229 : vector<16x1xi32> to vector<16xi32>
    %gather3A_231 = tpu.dynamic_gather %get3A_4[%gather3A_230] in [0] : vector<16xf32>, vector<16xi32> -> vector<16xf32>
    %and3A_232 = arith.constant 15 : i32
    %and3A_233 = vector.broadcast %and3A_232 : i32 to vector<16xi32>
    %and3A_234 = arith.andi %get3A_225, %and3A_233 : vector<16xi32>
    %broadcast_in_dim3A_235 = vector.shape_cast %and3A_234 : vector<16xi32> to vector<16x1xi32>
    %gather3A_236 = vector.shape_cast %broadcast_in_dim3A_235 : vector<16x1xi32> to vector<16xi32>
    %gather3A_237 = tpu.dynamic_gather %get3A_7[%gather3A_236] in [0] : vector<16xf32>, vector<16xi32> -> vector<16xf32>
    %ge3A_238 = arith.constant 16 : i32
    %ge3A_239 = vector.broadcast %ge3A_238 : i32 to vector<16xi32>
    %ge3A_240 = arith.cmpi sge, %get3A_225, %ge3A_239 : vector<16xi32>
    %select_n3A_241 = arith.select %ge3A_240, %gather3A_237, %gather3A_231 : vector<16xi1>, vector<16xf32>
    %and3A_242 = arith.constant 15 : i32
    %and3A_243 = vector.broadcast %and3A_242 : i32 to vector<16xi32>
    %and3A_244 = arith.andi %get3A_225, %and3A_243 : vector<16xi32>
    %broadcast_in_dim3A_245 = vector.shape_cast %and3A_244 : vector<16xi32> to vector<16x1xi32>
    %gather3A_246 = vector.shape_cast %broadcast_in_dim3A_245 : vector<16x1xi32> to vector<16xi32>
    %gather3A_247 = tpu.dynamic_gather %get3A_10[%gather3A_246] in [0] : vector<16xf32>, vector<16xi32> -> vector<16xf32>
    %ge3A_248 = arith.constant 32 : i32
    %ge3A_249 = vector.broadcast %ge3A_248 : i32 to vector<16xi32>
    %ge3A_250 = arith.cmpi sge, %get3A_225, %ge3A_249 : vector<16xi32>
    %select_n3A_251 = arith.select %ge3A_250, %gather3A_247, %select_n3A_241 : vector<16xi1>, vector<16xf32>
    %and3A_252 = arith.constant 15 : i32
    %and3A_253 = vector.broadcast %and3A_252 : i32 to vector<16xi32>
    %and3A_254 = arith.andi %get3A_225, %and3A_253 : vector<16xi32>
    %broadcast_in_dim3A_255 = vector.shape_cast %and3A_254 : vector<16xi32> to vector<16x1xi32>
    %gather3A_256 = vector.shape_cast %broadcast_in_dim3A_255 : vector<16x1xi32> to vector<16xi32>
    %gather3A_257 = tpu.dynamic_gather %get3A_13[%gather3A_256] in [0] : vector<16xf32>, vector<16xi32> -> vector<16xf32>
    %ge3A_258 = arith.constant 48 : i32
    %ge3A_259 = vector.broadcast %ge3A_258 : i32 to vector<16xi32>
    %ge3A_260 = arith.cmpi sge, %get3A_225, %ge3A_259 : vector<16xi32>
    %select_n3A_261 = arith.select %ge3A_260, %gather3A_257, %select_n3A_251 : vector<16xi1>, vector<16xf32>
    %swap3A_262 = arith.constant 80 : index
    %swap3A_263 = tpu.vector_load %arg7[%swap3A_262] {strides = array<i32>} : memref<256xf32, #tpu.memory_space<vmem>>, vector<16xf32>,
    %swap3A_264 = vector.shape_cast %swap3A_263 : vector<16xf32> to vector<16xf32>
    %swap3A_265 = vector.shape_cast %select_n3A_261 : vector<16xf32> to vector<16xf32>
    tpu.vector_store %arg7[%swap3A_262], %swap3A_265 {strides = array<i32>} : memref<256xf32, #tpu.memory_space<vmem>>, vector<16xf32>,
    %get3A_266 = arith.constant 96 : index
    %get3A_267 = tpu.vector_load %arg5[%get3A_266] {strides = array<i32>} : memref<256xi32, #tpu.memory_space<vmem>>, vector<16xi32>,
    %get3A_268 = vector.shape_cast %get3A_267 : vector<16xi32> to vector<16xi32>
    %and3A_269 = arith.constant 15 : i32
    %and3A_270 = vector.broadcast %and3A_269 : i32 to vector<16xi32>
    %and3A_271 = arith.andi %get3A_268, %and3A_270 : vector<16xi32>
    %broadcast_in_dim3A_272 = vector.shape_cast %and3A_271 : vector<16xi32> to vector<16x1xi32>
    %gather3A_273 = vector.shape_cast %broadcast_in_dim3A_272 : vector<16x1xi32> to vector<16xi32>
    %gather3A_274 = tpu.dynamic_gather %get3A_4[%gather3A_273] in [0] : vector<16xf32>, vector<16xi32> -> vector<16xf32>
    %and3A_275 = arith.constant 15 : i32
    %and3A_276 = vector.broadcast %and3A_275 : i32 to vector<16xi32>
    %and3A_277 = arith.andi %get3A_268, %and3A_276 : vector<16xi32>
    %broadcast_in_dim3A_278 = vector.shape_cast %and3A_277 : vector<16xi32> to vector<16x1xi32>
    %gather3A_279 = vector.shape_cast %broadcast_in_dim3A_278 : vector<16x1xi32> to vector<16xi32>
    %gather3A_280 = tpu.dynamic_gather %get3A_7[%gather3A_279] in [0] : vector<16xf32>, vector<16xi32> -> vector<16xf32>
    %ge3A_281 = arith.constant 16 : i32
    %ge3A_282 = vector.broadcast %ge3A_281 : i32 to vector<16xi32>
    %ge3A_283 = arith.cmpi sge, %get3A_268, %ge3A_282 : vector<16xi32>
    %select_n3A_284 = arith.select %ge3A_283, %gather3A_280, %gather3A_274 : vector<16xi1>, vector<16xf32>
    %and3A_285 = arith.constant 15 : i32
    %and3A_286 = vector.broadcast %and3A_285 : i32 to vector<16xi32>
    %and3A_287 = arith.andi %get3A_268, %and3A_286 : vector<16xi32>
    %broadcast_in_dim3A_288 = vector.shape_cast %and3A_287 : vector<16xi32> to vector<16x1xi32>
    %gather3A_289 = vector.shape_cast %broadcast_in_dim3A_288 : vector<16x1xi32> to vector<16xi32>
    %gather3A_290 = tpu.dynamic_gather %get3A_10[%gather3A_289] in [0] : vector<16xf32>, vector<16xi32> -> vector<16xf32>
    %ge3A_291 = arith.constant 32 : i32
    %ge3A_292 = vector.broadcast %ge3A_291 : i32 to vector<16xi32>
    %ge3A_293 = arith.cmpi sge, %get3A_268, %ge3A_292 : vector<16xi32>
    %select_n3A_294 = arith.select %ge3A_293, %gather3A_290, %select_n3A_284 : vector<16xi1>, vector<16xf32>
    %and3A_295 = arith.constant 15 : i32
    %and3A_296 = vector.broadcast %and3A_295 : i32 to vector<16xi32>
    %and3A_297 = arith.andi %get3A_268, %and3A_296 : vector<16xi32>
    %broadcast_in_dim3A_298 = vector.shape_cast %and3A_297 : vector<16xi32> to vector<16x1xi32>
    %gather3A_299 = vector.shape_cast %broadcast_in_dim3A_298 : vector<16x1xi32> to vector<16xi32>
    %gather3A_300 = tpu.dynamic_gather %get3A_13[%gather3A_299] in [0] : vector<16xf32>, vector<16xi32> -> vector<16xf32>
    %ge3A_301 = arith.constant 48 : i32
    %ge3A_302 = vector.broadcast %ge3A_301 : i32 to vector<16xi32>
    %ge3A_303 = arith.cmpi sge, %get3A_268, %ge3A_302 : vector<16xi32>
    %select_n3A_304 = arith.select %ge3A_303, %gather3A_300, %select_n3A_294 : vector<16xi1>, vector<16xf32>
    %swap3A_305 = arith.constant 96 : index
    %swap3A_306 = tpu.vector_load %arg7[%swap3A_305] {strides = array<i32>} : memref<256xf32, #tpu.memory_space<vmem>>, vector<16xf32>,
    %swap3A_307 = vector.shape_cast %swap3A_306 : vector<16xf32> to vector<16xf32>
    %swap3A_308 = vector.shape_cast %select_n3A_304 : vector<16xf32> to vector<16xf32>
    tpu.vector_store %arg7[%swap3A_305], %swap3A_308 {strides = array<i32>} : memref<256xf32, #tpu.memory_space<vmem>>, vector<16xf32>,
    %get3A_309 = arith.constant 112 : index
    %get3A_310 = tpu.vector_load %arg5[%get3A_309] {strides = array<i32>} : memref<256xi32, #tpu.memory_space<vmem>>, vector<16xi32>,
    %get3A_311 = vector.shape_cast %get3A_310 : vector<16xi32> to vector<16xi32>
    %and3A_312 = arith.constant 15 : i32
    %and3A_313 = vector.broadcast %and3A_312 : i32 to vector<16xi32>
    %and3A_314 = arith.andi %get3A_311, %and3A_313 : vector<16xi32>
    %broadcast_in_dim3A_315 = vector.shape_cast %and3A_314 : vector<16xi32> to vector<16x1xi32>
    %gather3A_316 = vector.shape_cast %broadcast_in_dim3A_315 : vector<16x1xi32> to vector<16xi32>
    %gather3A_317 = tpu.dynamic_gather %get3A_4[%gather3A_316] in [0] : vector<16xf32>, vector<16xi32> -> vector<16xf32>
    %and3A_318 = arith.constant 15 : i32
    %and3A_319 = vector.broadcast %and3A_318 : i32 to vector<16xi32>
    %and3A_320 = arith.andi %get3A_311, %and3A_319 : vector<16xi32>
    %broadcast_in_dim3A_321 = vector.shape_cast %and3A_320 : vector<16xi32> to vector<16x1xi32>
    %gather3A_322 = vector.shape_cast %broadcast_in_dim3A_321 : vector<16x1xi32> to vector<16xi32>
    %gather3A_323 = tpu.dynamic_gather %get3A_7[%gather3A_322] in [0] : vector<16xf32>, vector<16xi32> -> vector<16xf32>
    %ge3A_324 = arith.constant 16 : i32
    %ge3A_325 = vector.broadcast %ge3A_324 : i32 to vector<16xi32>
    %ge3A_326 = arith.cmpi sge, %get3A_311, %ge3A_325 : vector<16xi32>
    %select_n3A_327 = arith.select %ge3A_326, %gather3A_323, %gather3A_317 : vector<16xi1>, vector<16xf32>
    %and3A_328 = arith.constant 15 : i32
    %and3A_329 = vector.broadcast %and3A_328 : i32 to vector<16xi32>
    %and3A_330 = arith.andi %get3A_311, %and3A_329 : vector<16xi32>
    %broadcast_in_dim3A_331 = vector.shape_cast %and3A_330 : vector<16xi32> to vector<16x1xi32>
    %gather3A_332 = vector.shape_cast %broadcast_in_dim3A_331 : vector<16x1xi32> to vector<16xi32>
    %gather3A_333 = tpu.dynamic_gather %get3A_10[%gather3A_332] in [0] : vector<16xf32>, vector<16xi32> -> vector<16xf32>
    %ge3A_334 = arith.constant 32 : i32
    %ge3A_335 = vector.broadcast %ge3A_334 : i32 to vector<16xi32>
    %ge3A_336 = arith.cmpi sge, %get3A_311, %ge3A_335 : vector<16xi32>
    %select_n3A_337 = arith.select %ge3A_336, %gather3A_333, %select_n3A_327 : vector<16xi1>, vector<16xf32>
    %and3A_338 = arith.constant 15 : i32
    %and3A_339 = vector.broadcast %and3A_338 : i32 to vector<16xi32>
    %and3A_340 = arith.andi %get3A_311, %and3A_339 : vector<16xi32>
    %broadcast_in_dim3A_341 = vector.shape_cast %and3A_340 : vector<16xi32> to vector<16x1xi32>
    %gather3A_342 = vector.shape_cast %broadcast_in_dim3A_341 : vector<16x1xi32> to vector<16xi32>
    %gather3A_343 = tpu.dynamic_gather %get3A_13[%gather3A_342] in [0] : vector<16xf32>, vector<16xi32> -> vector<16xf32>
    %ge3A_344 = arith.constant 48 : i32
    %ge3A_345 = vector.broadcast %ge3A_344 : i32 to vector<16xi32>
    %ge3A_346 = arith.cmpi sge, %get3A_311, %ge3A_345 : vector<16xi32>
    %select_n3A_347 = arith.select %ge3A_346, %gather3A_343, %select_n3A_337 : vector<16xi1>, vector<16xf32>
    %swap3A_348 = arith.constant 112 : index
    %swap3A_349 = tpu.vector_load %arg7[%swap3A_348] {strides = array<i32>} : memref<256xf32, #tpu.memory_space<vmem>>, vector<16xf32>,
    %swap3A_350 = vector.shape_cast %swap3A_349 : vector<16xf32> to vector<16xf32>
    %swap3A_351 = vector.shape_cast %select_n3A_347 : vector<16xf32> to vector<16xf32>
    tpu.vector_store %arg7[%swap3A_348], %swap3A_351 {strides = array<i32>} : memref<256xf32, #tpu.memory_space<vmem>>, vector<16xf32>,
    %get3A_352 = arith.constant 128 : index
    %get3A_353 = tpu.vector_load %arg5[%get3A_352] {strides = array<i32>} : memref<256xi32, #tpu.memory_space<vmem>>, vector<16xi32>,
    %get3A_354 = vector.shape_cast %get3A_353 : vector<16xi32> to vector<16xi32>
    %and3A_355 = arith.constant 15 : i32
    %and3A_356 = vector.broadcast %and3A_355 : i32 to vector<16xi32>
    %and3A_357 = arith.andi %get3A_354, %and3A_356 : vector<16xi32>
    %broadcast_in_dim3A_358 = vector.shape_cast %and3A_357 : vector<16xi32> to vector<16x1xi32>
    %gather3A_359 = vector.shape_cast %broadcast_in_dim3A_358 : vector<16x1xi32> to vector<16xi32>
    %gather3A_360 = tpu.dynamic_gather %get3A_4[%gather3A_359] in [0] : vector<16xf32>, vector<16xi32> -> vector<16xf32>
    %and3A_361 = arith.constant 15 : i32
    %and3A_362 = vector.broadcast %and3A_361 : i32 to vector<16xi32>
    %and3A_363 = arith.andi %get3A_354, %and3A_362 : vector<16xi32>
    %broadcast_in_dim3A_364 = vector.shape_cast %and3A_363 : vector<16xi32> to vector<16x1xi32>
    %gather3A_365 = vector.shape_cast %broadcast_in_dim3A_364 : vector<16x1xi32> to vector<16xi32>
    %gather3A_366 = tpu.dynamic_gather %get3A_7[%gather3A_365] in [0] : vector<16xf32>, vector<16xi32> -> vector<16xf32>
    %ge3A_367 = arith.constant 16 : i32
    %ge3A_368 = vector.broadcast %ge3A_367 : i32 to vector<16xi32>
    %ge3A_369 = arith.cmpi sge, %get3A_354, %ge3A_368 : vector<16xi32>
    %select_n3A_370 = arith.select %ge3A_369, %gather3A_366, %gather3A_360 : vector<16xi1>, vector<16xf32>
    %and3A_371 = arith.constant 15 : i32
    %and3A_372 = vector.broadcast %and3A_371 : i32 to vector<16xi32>
    %and3A_373 = arith.andi %get3A_354, %and3A_372 : vector<16xi32>
    %broadcast_in_dim3A_374 = vector.shape_cast %and3A_373 : vector<16xi32> to vector<16x1xi32>
    %gather3A_375 = vector.shape_cast %broadcast_in_dim3A_374 : vector<16x1xi32> to vector<16xi32>
    %gather3A_376 = tpu.dynamic_gather %get3A_10[%gather3A_375] in [0] : vector<16xf32>, vector<16xi32> -> vector<16xf32>
    %ge3A_377 = arith.constant 32 : i32
    %ge3A_378 = vector.broadcast %ge3A_377 : i32 to vector<16xi32>
    %ge3A_379 = arith.cmpi sge, %get3A_354, %ge3A_378 : vector<16xi32>
    %select_n3A_380 = arith.select %ge3A_379, %gather3A_376, %select_n3A_370 : vector<16xi1>, vector<16xf32>
    %and3A_381 = arith.constant 15 : i32
    %and3A_382 = vector.broadcast %and3A_381 : i32 to vector<16xi32>
    %and3A_383 = arith.andi %get3A_354, %and3A_382 : vector<16xi32>
    %broadcast_in_dim3A_384 = vector.shape_cast %and3A_383 : vector<16xi32> to vector<16x1xi32>
    %gather3A_385 = vector.shape_cast %broadcast_in_dim3A_384 : vector<16x1xi32> to vector<16xi32>
    %gather3A_386 = tpu.dynamic_gather %get3A_13[%gather3A_385] in [0] : vector<16xf32>, vector<16xi32> -> vector<16xf32>
    %ge3A_387 = arith.constant 48 : i32
    %ge3A_388 = vector.broadcast %ge3A_387 : i32 to vector<16xi32>
    %ge3A_389 = arith.cmpi sge, %get3A_354, %ge3A_388 : vector<16xi32>
    %select_n3A_390 = arith.select %ge3A_389, %gather3A_386, %select_n3A_380 : vector<16xi1>, vector<16xf32>
    %swap3A_391 = arith.constant 128 : index
    %swap3A_392 = tpu.vector_load %arg7[%swap3A_391] {strides = array<i32>} : memref<256xf32, #tpu.memory_space<vmem>>, vector<16xf32>,
    %swap3A_393 = vector.shape_cast %swap3A_392 : vector<16xf32> to vector<16xf32>
    %swap3A_394 = vector.shape_cast %select_n3A_390 : vector<16xf32> to vector<16xf32>
    tpu.vector_store %arg7[%swap3A_391], %swap3A_394 {strides = array<i32>} : memref<256xf32, #tpu.memory_space<vmem>>, vector<16xf32>,
    %get3A_395 = arith.constant 144 : index
    %get3A_396 = tpu.vector_load %arg5[%get3A_395] {strides = array<i32>} : memref<256xi32, #tpu.memory_space<vmem>>, vector<16xi32>,
    %get3A_397 = vector.shape_cast %get3A_396 : vector<16xi32> to vector<16xi32>
    %and3A_398 = arith.constant 15 : i32
    %and3A_399 = vector.broadcast %and3A_398 : i32 to vector<16xi32>
    %and3A_400 = arith.andi %get3A_397, %and3A_399 : vector<16xi32>
    %broadcast_in_dim3A_401 = vector.shape_cast %and3A_400 : vector<16xi32> to vector<16x1xi32>
    %gather3A_402 = vector.shape_cast %broadcast_in_dim3A_401 : vector<16x1xi32> to vector<16xi32>
    %gather3A_403 = tpu.dynamic_gather %get3A_4[%gather3A_402] in [0] : vector<16xf32>, vector<16xi32> -> vector<16xf32>
    %and3A_404 = arith.constant 15 : i32
    %and3A_405 = vector.broadcast %and3A_404 : i32 to vector<16xi32>
    %and3A_406 = arith.andi %get3A_397, %and3A_405 : vector<16xi32>
    %broadcast_in_dim3A_407 = vector.shape_cast %and3A_406 : vector<16xi32> to vector<16x1xi32>
    %gather3A_408 = vector.shape_cast %broadcast_in_dim3A_407 : vector<16x1xi32> to vector<16xi32>
    %gather3A_409 = tpu.dynamic_gather %get3A_7[%gather3A_408] in [0] : vector<16xf32>, vector<16xi32> -> vector<16xf32>
    %ge3A_410 = arith.constant 16 : i32
    %ge3A_411 = vector.broadcast %ge3A_410 : i32 to vector<16xi32>
    %ge3A_412 = arith.cmpi sge, %get3A_397, %ge3A_411 : vector<16xi32>
    %select_n3A_413 = arith.select %ge3A_412, %gather3A_409, %gather3A_403 : vector<16xi1>, vector<16xf32>
    %and3A_414 = arith.constant 15 : i32
    %and3A_415 = vector.broadcast %and3A_414 : i32 to vector<16xi32>
    %and3A_416 = arith.andi %get3A_397, %and3A_415 : vector<16xi32>
    %broadcast_in_dim3A_417 = vector.shape_cast %and3A_416 : vector<16xi32> to vector<16x1xi32>
    %gather3A_418 = vector.shape_cast %broadcast_in_dim3A_417 : vector<16x1xi32> to vector<16xi32>
    %gather3A_419 = tpu.dynamic_gather %get3A_10[%gather3A_418] in [0] : vector<16xf32>, vector<16xi32> -> vector<16xf32>
    %ge3A_420 = arith.constant 32 : i32
    %ge3A_421 = vector.broadcast %ge3A_420 : i32 to vector<16xi32>
    %ge3A_422 = arith.cmpi sge, %get3A_397, %ge3A_421 : vector<16xi32>
    %select_n3A_423 = arith.select %ge3A_422, %gather3A_419, %select_n3A_413 : vector<16xi1>, vector<16xf32>
    %and3A_424 = arith.constant 15 : i32
    %and3A_425 = vector.broadcast %and3A_424 : i32 to vector<16xi32>
    %and3A_426 = arith.andi %get3A_397, %and3A_425 : vector<16xi32>
    %broadcast_in_dim3A_427 = vector.shape_cast %and3A_426 : vector<16xi32> to vector<16x1xi32>
    %gather3A_428 = vector.shape_cast %broadcast_in_dim3A_427 : vector<16x1xi32> to vector<16xi32>
    %gather3A_429 = tpu.dynamic_gather %get3A_13[%gather3A_428] in [0] : vector<16xf32>, vector<16xi32> -> vector<16xf32>
    %ge3A_430 = arith.constant 48 : i32
    %ge3A_431 = vector.broadcast %ge3A_430 : i32 to vector<16xi32>
    %ge3A_432 = arith.cmpi sge, %get3A_397, %ge3A_431 : vector<16xi32>
    %select_n3A_433 = arith.select %ge3A_432, %gather3A_429, %select_n3A_423 : vector<16xi1>, vector<16xf32>
    %swap3A_434 = arith.constant 144 : index
    %swap3A_435 = tpu.vector_load %arg7[%swap3A_434] {strides = array<i32>} : memref<256xf32, #tpu.memory_space<vmem>>, vector<16xf32>,
    %swap3A_436 = vector.shape_cast %swap3A_435 : vector<16xf32> to vector<16xf32>
    %swap3A_437 = vector.shape_cast %select_n3A_433 : vector<16xf32> to vector<16xf32>
    tpu.vector_store %arg7[%swap3A_434], %swap3A_437 {strides = array<i32>} : memref<256xf32, #tpu.memory_space<vmem>>, vector<16xf32>,
    %get3A_438 = arith.constant 160 : index
    %get3A_439 = tpu.vector_load %arg5[%get3A_438] {strides = array<i32>} : memref<256xi32, #tpu.memory_space<vmem>>, vector<16xi32>,
    %get3A_440 = vector.shape_cast %get3A_439 : vector<16xi32> to vector<16xi32>
    %and3A_441 = arith.constant 15 : i32
    %and3A_442 = vector.broadcast %and3A_441 : i32 to vector<16xi32>
    %and3A_443 = arith.andi %get3A_440, %and3A_442 : vector<16xi32>
    %broadcast_in_dim3A_444 = vector.shape_cast %and3A_443 : vector<16xi32> to vector<16x1xi32>
    %gather3A_445 = vector.shape_cast %broadcast_in_dim3A_444 : vector<16x1xi32> to vector<16xi32>
    %gather3A_446 = tpu.dynamic_gather %get3A_4[%gather3A_445] in [0] : vector<16xf32>, vector<16xi32> -> vector<16xf32>
    %and3A_447 = arith.constant 15 : i32
    %and3A_448 = vector.broadcast %and3A_447 : i32 to vector<16xi32>
    %and3A_449 = arith.andi %get3A_440, %and3A_448 : vector<16xi32>
    %broadcast_in_dim3A_450 = vector.shape_cast %and3A_449 : vector<16xi32> to vector<16x1xi32>
    %gather3A_451 = vector.shape_cast %broadcast_in_dim3A_450 : vector<16x1xi32> to vector<16xi32>
    %gather3A_452 = tpu.dynamic_gather %get3A_7[%gather3A_451] in [0] : vector<16xf32>, vector<16xi32> -> vector<16xf32>
    %ge3A_453 = arith.constant 16 : i32
    %ge3A_454 = vector.broadcast %ge3A_453 : i32 to vector<16xi32>
    %ge3A_455 = arith.cmpi sge, %get3A_440, %ge3A_454 : vector<16xi32>
    %select_n3A_456 = arith.select %ge3A_455, %gather3A_452, %gather3A_446 : vector<16xi1>, vector<16xf32>
    %and3A_457 = arith.constant 15 : i32
    %and3A_458 = vector.broadcast %and3A_457 : i32 to vector<16xi32>
    %and3A_459 = arith.andi %get3A_440, %and3A_458 : vector<16xi32>
    %broadcast_in_dim3A_460 = vector.shape_cast %and3A_459 : vector<16xi32> to vector<16x1xi32>
    %gather3A_461 = vector.shape_cast %broadcast_in_dim3A_460 : vector<16x1xi32> to vector<16xi32>
    %gather3A_462 = tpu.dynamic_gather %get3A_10[%gather3A_461] in [0] : vector<16xf32>, vector<16xi32> -> vector<16xf32>
    %ge3A_463 = arith.constant 32 : i32
    %ge3A_464 = vector.broadcast %ge3A_463 : i32 to vector<16xi32>
    %ge3A_465 = arith.cmpi sge, %get3A_440, %ge3A_464 : vector<16xi32>
    %select_n3A_466 = arith.select %ge3A_465, %gather3A_462, %select_n3A_456 : vector<16xi1>, vector<16xf32>
    %and3A_467 = arith.constant 15 : i32
    %and3A_468 = vector.broadcast %and3A_467 : i32 to vector<16xi32>
    %and3A_469 = arith.andi %get3A_440, %and3A_468 : vector<16xi32>
    %broadcast_in_dim3A_470 = vector.shape_cast %and3A_469 : vector<16xi32> to vector<16x1xi32>
    %gather3A_471 = vector.shape_cast %broadcast_in_dim3A_470 : vector<16x1xi32> to vector<16xi32>
    %gather3A_472 = tpu.dynamic_gather %get3A_13[%gather3A_471] in [0] : vector<16xf32>, vector<16xi32> -> vector<16xf32>
    %ge3A_473 = arith.constant 48 : i32
    %ge3A_474 = vector.broadcast %ge3A_473 : i32 to vector<16xi32>
    %ge3A_475 = arith.cmpi sge, %get3A_440, %ge3A_474 : vector<16xi32>
    %select_n3A_476 = arith.select %ge3A_475, %gather3A_472, %select_n3A_466 : vector<16xi1>, vector<16xf32>
    %swap3A_477 = arith.constant 160 : index
    %swap3A_478 = tpu.vector_load %arg7[%swap3A_477] {strides = array<i32>} : memref<256xf32, #tpu.memory_space<vmem>>, vector<16xf32>,
    %swap3A_479 = vector.shape_cast %swap3A_478 : vector<16xf32> to vector<16xf32>
    %swap3A_480 = vector.shape_cast %select_n3A_476 : vector<16xf32> to vector<16xf32>
    tpu.vector_store %arg7[%swap3A_477], %swap3A_480 {strides = array<i32>} : memref<256xf32, #tpu.memory_space<vmem>>, vector<16xf32>,
    %get3A_481 = arith.constant 176 : index
    %get3A_482 = tpu.vector_load %arg5[%get3A_481] {strides = array<i32>} : memref<256xi32, #tpu.memory_space<vmem>>, vector<16xi32>,
    %get3A_483 = vector.shape_cast %get3A_482 : vector<16xi32> to vector<16xi32>
    %and3A_484 = arith.constant 15 : i32
    %and3A_485 = vector.broadcast %and3A_484 : i32 to vector<16xi32>
    %and3A_486 = arith.andi %get3A_483, %and3A_485 : vector<16xi32>
    %broadcast_in_dim3A_487 = vector.shape_cast %and3A_486 : vector<16xi32> to vector<16x1xi32>
    %gather3A_488 = vector.shape_cast %broadcast_in_dim3A_487 : vector<16x1xi32> to vector<16xi32>
    %gather3A_489 = tpu.dynamic_gather %get3A_4[%gather3A_488] in [0] : vector<16xf32>, vector<16xi32> -> vector<16xf32>
    %and3A_490 = arith.constant 15 : i32
    %and3A_491 = vector.broadcast %and3A_490 : i32 to vector<16xi32>
    %and3A_492 = arith.andi %get3A_483, %and3A_491 : vector<16xi32>
    %broadcast_in_dim3A_493 = vector.shape_cast %and3A_492 : vector<16xi32> to vector<16x1xi32>
    %gather3A_494 = vector.shape_cast %broadcast_in_dim3A_493 : vector<16x1xi32> to vector<16xi32>
    %gather3A_495 = tpu.dynamic_gather %get3A_7[%gather3A_494] in [0] : vector<16xf32>, vector<16xi32> -> vector<16xf32>
    %ge3A_496 = arith.constant 16 : i32
    %ge3A_497 = vector.broadcast %ge3A_496 : i32 to vector<16xi32>
    %ge3A_498 = arith.cmpi sge, %get3A_483, %ge3A_497 : vector<16xi32>
    %select_n3A_499 = arith.select %ge3A_498, %gather3A_495, %gather3A_489 : vector<16xi1>, vector<16xf32>
    %and3A_500 = arith.constant 15 : i32
    %and3A_501 = vector.broadcast %and3A_500 : i32 to vector<16xi32>
    %and3A_502 = arith.andi %get3A_483, %and3A_501 : vector<16xi32>
    %broadcast_in_dim3A_503 = vector.shape_cast %and3A_502 : vector<16xi32> to vector<16x1xi32>
    %gather3A_504 = vector.shape_cast %broadcast_in_dim3A_503 : vector<16x1xi32> to vector<16xi32>
    %gather3A_505 = tpu.dynamic_gather %get3A_10[%gather3A_504] in [0] : vector<16xf32>, vector<16xi32> -> vector<16xf32>
    %ge3A_506 = arith.constant 32 : i32
    %ge3A_507 = vector.broadcast %ge3A_506 : i32 to vector<16xi32>
    %ge3A_508 = arith.cmpi sge, %get3A_483, %ge3A_507 : vector<16xi32>
    %select_n3A_509 = arith.select %ge3A_508, %gather3A_505, %select_n3A_499 : vector<16xi1>, vector<16xf32>
    %and3A_510 = arith.constant 15 : i32
    %and3A_511 = vector.broadcast %and3A_510 : i32 to vector<16xi32>
    %and3A_512 = arith.andi %get3A_483, %and3A_511 : vector<16xi32>
    %broadcast_in_dim3A_513 = vector.shape_cast %and3A_512 : vector<16xi32> to vector<16x1xi32>
    %gather3A_514 = vector.shape_cast %broadcast_in_dim3A_513 : vector<16x1xi32> to vector<16xi32>
    %gather3A_515 = tpu.dynamic_gather %get3A_13[%gather3A_514] in [0] : vector<16xf32>, vector<16xi32> -> vector<16xf32>
    %ge3A_516 = arith.constant 48 : i32
    %ge3A_517 = vector.broadcast %ge3A_516 : i32 to vector<16xi32>
    %ge3A_518 = arith.cmpi sge, %get3A_483, %ge3A_517 : vector<16xi32>
    %select_n3A_519 = arith.select %ge3A_518, %gather3A_515, %select_n3A_509 : vector<16xi1>, vector<16xf32>
    %swap3A_520 = arith.constant 176 : index
    %swap3A_521 = tpu.vector_load %arg7[%swap3A_520] {strides = array<i32>} : memref<256xf32, #tpu.memory_space<vmem>>, vector<16xf32>,
    %swap3A_522 = vector.shape_cast %swap3A_521 : vector<16xf32> to vector<16xf32>
    %swap3A_523 = vector.shape_cast %select_n3A_519 : vector<16xf32> to vector<16xf32>
    tpu.vector_store %arg7[%swap3A_520], %swap3A_523 {strides = array<i32>} : memref<256xf32, #tpu.memory_space<vmem>>, vector<16xf32>,
    %get3A_524 = arith.constant 192 : index
    %get3A_525 = tpu.vector_load %arg5[%get3A_524] {strides = array<i32>} : memref<256xi32, #tpu.memory_space<vmem>>, vector<16xi32>,
    %get3A_526 = vector.shape_cast %get3A_525 : vector<16xi32> to vector<16xi32>
    %and3A_527 = arith.constant 15 : i32
    %and3A_528 = vector.broadcast %and3A_527 : i32 to vector<16xi32>
    %and3A_529 = arith.andi %get3A_526, %and3A_528 : vector<16xi32>
    %broadcast_in_dim3A_530 = vector.shape_cast %and3A_529 : vector<16xi32> to vector<16x1xi32>
    %gather3A_531 = vector.shape_cast %broadcast_in_dim3A_530 : vector<16x1xi32> to vector<16xi32>
    %gather3A_532 = tpu.dynamic_gather %get3A_4[%gather3A_531] in [0] : vector<16xf32>, vector<16xi32> -> vector<16xf32>
    %and3A_533 = arith.constant 15 : i32
    %and3A_534 = vector.broadcast %and3A_533 : i32 to vector<16xi32>
    %and3A_535 = arith.andi %get3A_526, %and3A_534 : vector<16xi32>
    %broadcast_in_dim3A_536 = vector.shape_cast %and3A_535 : vector<16xi32> to vector<16x1xi32>
    %gather3A_537 = vector.shape_cast %broadcast_in_dim3A_536 : vector<16x1xi32> to vector<16xi32>
    %gather3A_538 = tpu.dynamic_gather %get3A_7[%gather3A_537] in [0] : vector<16xf32>, vector<16xi32> -> vector<16xf32>
    %ge3A_539 = arith.constant 16 : i32
    %ge3A_540 = vector.broadcast %ge3A_539 : i32 to vector<16xi32>
    %ge3A_541 = arith.cmpi sge, %get3A_526, %ge3A_540 : vector<16xi32>
    %select_n3A_542 = arith.select %ge3A_541, %gather3A_538, %gather3A_532 : vector<16xi1>, vector<16xf32>
    %and3A_543 = arith.constant 15 : i32
    %and3A_544 = vector.broadcast %and3A_543 : i32 to vector<16xi32>
    %and3A_545 = arith.andi %get3A_526, %and3A_544 : vector<16xi32>
    %broadcast_in_dim3A_546 = vector.shape_cast %and3A_545 : vector<16xi32> to vector<16x1xi32>
    %gather3A_547 = vector.shape_cast %broadcast_in_dim3A_546 : vector<16x1xi32> to vector<16xi32>
    %gather3A_548 = tpu.dynamic_gather %get3A_10[%gather3A_547] in [0] : vector<16xf32>, vector<16xi32> -> vector<16xf32>
    %ge3A_549 = arith.constant 32 : i32
    %ge3A_550 = vector.broadcast %ge3A_549 : i32 to vector<16xi32>
    %ge3A_551 = arith.cmpi sge, %get3A_526, %ge3A_550 : vector<16xi32>
    %select_n3A_552 = arith.select %ge3A_551, %gather3A_548, %select_n3A_542 : vector<16xi1>, vector<16xf32>
    %and3A_553 = arith.constant 15 : i32
    %and3A_554 = vector.broadcast %and3A_553 : i32 to vector<16xi32>
    %and3A_555 = arith.andi %get3A_526, %and3A_554 : vector<16xi32>
    %broadcast_in_dim3A_556 = vector.shape_cast %and3A_555 : vector<16xi32> to vector<16x1xi32>
    %gather3A_557 = vector.shape_cast %broadcast_in_dim3A_556 : vector<16x1xi32> to vector<16xi32>
    %gather3A_558 = tpu.dynamic_gather %get3A_13[%gather3A_557] in [0] : vector<16xf32>, vector<16xi32> -> vector<16xf32>
    %ge3A_559 = arith.constant 48 : i32
    %ge3A_560 = vector.broadcast %ge3A_559 : i32 to vector<16xi32>
    %ge3A_561 = arith.cmpi sge, %get3A_526, %ge3A_560 : vector<16xi32>
    %select_n3A_562 = arith.select %ge3A_561, %gather3A_558, %select_n3A_552 : vector<16xi1>, vector<16xf32>
    %swap3A_563 = arith.constant 192 : index
    %swap3A_564 = tpu.vector_load %arg7[%swap3A_563] {strides = array<i32>} : memref<256xf32, #tpu.memory_space<vmem>>, vector<16xf32>,
    %swap3A_565 = vector.shape_cast %swap3A_564 : vector<16xf32> to vector<16xf32>
    %swap3A_566 = vector.shape_cast %select_n3A_562 : vector<16xf32> to vector<16xf32>
    tpu.vector_store %arg7[%swap3A_563], %swap3A_566 {strides = array<i32>} : memref<256xf32, #tpu.memory_space<vmem>>, vector<16xf32>,
    %get3A_567 = arith.constant 208 : index
    %get3A_568 = tpu.vector_load %arg5[%get3A_567] {strides = array<i32>} : memref<256xi32, #tpu.memory_space<vmem>>, vector<16xi32>,
    %get3A_569 = vector.shape_cast %get3A_568 : vector<16xi32> to vector<16xi32>
    %and3A_570 = arith.constant 15 : i32
    %and3A_571 = vector.broadcast %and3A_570 : i32 to vector<16xi32>
    %and3A_572 = arith.andi %get3A_569, %and3A_571 : vector<16xi32>
    %broadcast_in_dim3A_573 = vector.shape_cast %and3A_572 : vector<16xi32> to vector<16x1xi32>
    %gather3A_574 = vector.shape_cast %broadcast_in_dim3A_573 : vector<16x1xi32> to vector<16xi32>
    %gather3A_575 = tpu.dynamic_gather %get3A_4[%gather3A_574] in [0] : vector<16xf32>, vector<16xi32> -> vector<16xf32>
    %and3A_576 = arith.constant 15 : i32
    %and3A_577 = vector.broadcast %and3A_576 : i32 to vector<16xi32>
    %and3A_578 = arith.andi %get3A_569, %and3A_577 : vector<16xi32>
    %broadcast_in_dim3A_579 = vector.shape_cast %and3A_578 : vector<16xi32> to vector<16x1xi32>
    %gather3A_580 = vector.shape_cast %broadcast_in_dim3A_579 : vector<16x1xi32> to vector<16xi32>
    %gather3A_581 = tpu.dynamic_gather %get3A_7[%gather3A_580] in [0] : vector<16xf32>, vector<16xi32> -> vector<16xf32>
    %ge3A_582 = arith.constant 16 : i32
    %ge3A_583 = vector.broadcast %ge3A_582 : i32 to vector<16xi32>
    %ge3A_584 = arith.cmpi sge, %get3A_569, %ge3A_583 : vector<16xi32>
    %select_n3A_585 = arith.select %ge3A_584, %gather3A_581, %gather3A_575 : vector<16xi1>, vector<16xf32>
    %and3A_586 = arith.constant 15 : i32
    %and3A_587 = vector.broadcast %and3A_586 : i32 to vector<16xi32>
    %and3A_588 = arith.andi %get3A_569, %and3A_587 : vector<16xi32>
    %broadcast_in_dim3A_589 = vector.shape_cast %and3A_588 : vector<16xi32> to vector<16x1xi32>
    %gather3A_590 = vector.shape_cast %broadcast_in_dim3A_589 : vector<16x1xi32> to vector<16xi32>
    %gather3A_591 = tpu.dynamic_gather %get3A_10[%gather3A_590] in [0] : vector<16xf32>, vector<16xi32> -> vector<16xf32>
    %ge3A_592 = arith.constant 32 : i32
    %ge3A_593 = vector.broadcast %ge3A_592 : i32 to vector<16xi32>
    %ge3A_594 = arith.cmpi sge, %get3A_569, %ge3A_593 : vector<16xi32>
    %select_n3A_595 = arith.select %ge3A_594, %gather3A_591, %select_n3A_585 : vector<16xi1>, vector<16xf32>
    %and3A_596 = arith.constant 15 : i32
    %and3A_597 = vector.broadcast %and3A_596 : i32 to vector<16xi32>
    %and3A_598 = arith.andi %get3A_569, %and3A_597 : vector<16xi32>
    %broadcast_in_dim3A_599 = vector.shape_cast %and3A_598 : vector<16xi32> to vector<16x1xi32>
    %gather3A_600 = vector.shape_cast %broadcast_in_dim3A_599 : vector<16x1xi32> to vector<16xi32>
    %gather3A_601 = tpu.dynamic_gather %get3A_13[%gather3A_600] in [0] : vector<16xf32>, vector<16xi32> -> vector<16xf32>
    %ge3A_602 = arith.constant 48 : i32
    %ge3A_603 = vector.broadcast %ge3A_602 : i32 to vector<16xi32>
    %ge3A_604 = arith.cmpi sge, %get3A_569, %ge3A_603 : vector<16xi32>
    %select_n3A_605 = arith.select %ge3A_604, %gather3A_601, %select_n3A_595 : vector<16xi1>, vector<16xf32>
    %swap3A_606 = arith.constant 208 : index
    %swap3A_607 = tpu.vector_load %arg7[%swap3A_606] {strides = array<i32>} : memref<256xf32, #tpu.memory_space<vmem>>, vector<16xf32>,
    %swap3A_608 = vector.shape_cast %swap3A_607 : vector<16xf32> to vector<16xf32>
    %swap3A_609 = vector.shape_cast %select_n3A_605 : vector<16xf32> to vector<16xf32>
    tpu.vector_store %arg7[%swap3A_606], %swap3A_609 {strides = array<i32>} : memref<256xf32, #tpu.memory_space<vmem>>, vector<16xf32>,
    %get3A_610 = arith.constant 224 : index
    %get3A_611 = tpu.vector_load %arg5[%get3A_610] {strides = array<i32>} : memref<256xi32, #tpu.memory_space<vmem>>, vector<16xi32>,
    %get3A_612 = vector.shape_cast %get3A_611 : vector<16xi32> to vector<16xi32>
    %and3A_613 = arith.constant 15 : i32
    %and3A_614 = vector.broadcast %and3A_613 : i32 to vector<16xi32>
    %and3A_615 = arith.andi %get3A_612, %and3A_614 : vector<16xi32>
    %broadcast_in_dim3A_616 = vector.shape_cast %and3A_615 : vector<16xi32> to vector<16x1xi32>
    %gather3A_617 = vector.shape_cast %broadcast_in_dim3A_616 : vector<16x1xi32> to vector<16xi32>
    %gather3A_618 = tpu.dynamic_gather %get3A_4[%gather3A_617] in [0] : vector<16xf32>, vector<16xi32> -> vector<16xf32>
    %and3A_619 = arith.constant 15 : i32
    %and3A_620 = vector.broadcast %and3A_619 : i32 to vector<16xi32>
    %and3A_621 = arith.andi %get3A_612, %and3A_620 : vector<16xi32>
    %broadcast_in_dim3A_622 = vector.shape_cast %and3A_621 : vector<16xi32> to vector<16x1xi32>
    %gather3A_623 = vector.shape_cast %broadcast_in_dim3A_622 : vector<16x1xi32> to vector<16xi32>
    %gather3A_624 = tpu.dynamic_gather %get3A_7[%gather3A_623] in [0] : vector<16xf32>, vector<16xi32> -> vector<16xf32>
    %ge3A_625 = arith.constant 16 : i32
    %ge3A_626 = vector.broadcast %ge3A_625 : i32 to vector<16xi32>
    %ge3A_627 = arith.cmpi sge, %get3A_612, %ge3A_626 : vector<16xi32>
    %select_n3A_628 = arith.select %ge3A_627, %gather3A_624, %gather3A_618 : vector<16xi1>, vector<16xf32>
    %and3A_629 = arith.constant 15 : i32
    %and3A_630 = vector.broadcast %and3A_629 : i32 to vector<16xi32>
    %and3A_631 = arith.andi %get3A_612, %and3A_630 : vector<16xi32>
    %broadcast_in_dim3A_632 = vector.shape_cast %and3A_631 : vector<16xi32> to vector<16x1xi32>
    %gather3A_633 = vector.shape_cast %broadcast_in_dim3A_632 : vector<16x1xi32> to vector<16xi32>
    %gather3A_634 = tpu.dynamic_gather %get3A_10[%gather3A_633] in [0] : vector<16xf32>, vector<16xi32> -> vector<16xf32>
    %ge3A_635 = arith.constant 32 : i32
    %ge3A_636 = vector.broadcast %ge3A_635 : i32 to vector<16xi32>
    %ge3A_637 = arith.cmpi sge, %get3A_612, %ge3A_636 : vector<16xi32>
    %select_n3A_638 = arith.select %ge3A_637, %gather3A_634, %select_n3A_628 : vector<16xi1>, vector<16xf32>
    %and3A_639 = arith.constant 15 : i32
    %and3A_640 = vector.broadcast %and3A_639 : i32 to vector<16xi32>
    %and3A_641 = arith.andi %get3A_612, %and3A_640 : vector<16xi32>
    %broadcast_in_dim3A_642 = vector.shape_cast %and3A_641 : vector<16xi32> to vector<16x1xi32>
    %gather3A_643 = vector.shape_cast %broadcast_in_dim3A_642 : vector<16x1xi32> to vector<16xi32>
    %gather3A_644 = tpu.dynamic_gather %get3A_13[%gather3A_643] in [0] : vector<16xf32>, vector<16xi32> -> vector<16xf32>
    %ge3A_645 = arith.constant 48 : i32
    %ge3A_646 = vector.broadcast %ge3A_645 : i32 to vector<16xi32>
    %ge3A_647 = arith.cmpi sge, %get3A_612, %ge3A_646 : vector<16xi32>
    %select_n3A_648 = arith.select %ge3A_647, %gather3A_644, %select_n3A_638 : vector<16xi1>, vector<16xf32>
    %swap3A_649 = arith.constant 224 : index
    %swap3A_650 = tpu.vector_load %arg7[%swap3A_649] {strides = array<i32>} : memref<256xf32, #tpu.memory_space<vmem>>, vector<16xf32>,
    %swap3A_651 = vector.shape_cast %swap3A_650 : vector<16xf32> to vector<16xf32>
    %swap3A_652 = vector.shape_cast %select_n3A_648 : vector<16xf32> to vector<16xf32>
    tpu.vector_store %arg7[%swap3A_649], %swap3A_652 {strides = array<i32>} : memref<256xf32, #tpu.memory_space<vmem>>, vector<16xf32>,
    %get3A_653 = arith.constant 240 : index
    %get3A_654 = tpu.vector_load %arg5[%get3A_653] {strides = array<i32>} : memref<256xi32, #tpu.memory_space<vmem>>, vector<16xi32>,
    %get3A_655 = vector.shape_cast %get3A_654 : vector<16xi32> to vector<16xi32>
    %and3A_656 = arith.constant 15 : i32
    %and3A_657 = vector.broadcast %and3A_656 : i32 to vector<16xi32>
    %and3A_658 = arith.andi %get3A_655, %and3A_657 : vector<16xi32>
    %broadcast_in_dim3A_659 = vector.shape_cast %and3A_658 : vector<16xi32> to vector<16x1xi32>
    %gather3A_660 = vector.shape_cast %broadcast_in_dim3A_659 : vector<16x1xi32> to vector<16xi32>
    %gather3A_661 = tpu.dynamic_gather %get3A_4[%gather3A_660] in [0] : vector<16xf32>, vector<16xi32> -> vector<16xf32>
    %and3A_662 = arith.constant 15 : i32
    %and3A_663 = vector.broadcast %and3A_662 : i32 to vector<16xi32>
    %and3A_664 = arith.andi %get3A_655, %and3A_663 : vector<16xi32>
    %broadcast_in_dim3A_665 = vector.shape_cast %and3A_664 : vector<16xi32> to vector<16x1xi32>
    %gather3A_666 = vector.shape_cast %broadcast_in_dim3A_665 : vector<16x1xi32> to vector<16xi32>
    %gather3A_667 = tpu.dynamic_gather %get3A_7[%gather3A_666] in [0] : vector<16xf32>, vector<16xi32> -> vector<16xf32>
    %ge3A_668 = arith.constant 16 : i32
    %ge3A_669 = vector.broadcast %ge3A_668 : i32 to vector<16xi32>
    %ge3A_670 = arith.cmpi sge, %get3A_655, %ge3A_669 : vector<16xi32>
    %select_n3A_671 = arith.select %ge3A_670, %gather3A_667, %gather3A_661 : vector<16xi1>, vector<16xf32>
    %and3A_672 = arith.constant 15 : i32
    %and3A_673 = vector.broadcast %and3A_672 : i32 to vector<16xi32>
    %and3A_674 = arith.andi %get3A_655, %and3A_673 : vector<16xi32>
    %broadcast_in_dim3A_675 = vector.shape_cast %and3A_674 : vector<16xi32> to vector<16x1xi32>
    %gather3A_676 = vector.shape_cast %broadcast_in_dim3A_675 : vector<16x1xi32> to vector<16xi32>
    %gather3A_677 = tpu.dynamic_gather %get3A_10[%gather3A_676] in [0] : vector<16xf32>, vector<16xi32> -> vector<16xf32>
    %ge3A_678 = arith.constant 32 : i32
    %ge3A_679 = vector.broadcast %ge3A_678 : i32 to vector<16xi32>
    %ge3A_680 = arith.cmpi sge, %get3A_655, %ge3A_679 : vector<16xi32>
    %select_n3A_681 = arith.select %ge3A_680, %gather3A_677, %select_n3A_671 : vector<16xi1>, vector<16xf32>
    %and3A_682 = arith.constant 15 : i32
    %and3A_683 = vector.broadcast %and3A_682 : i32 to vector<16xi32>
    %and3A_684 = arith.andi %get3A_655, %and3A_683 : vector<16xi32>
    %broadcast_in_dim3A_685 = vector.shape_cast %and3A_684 : vector<16xi32> to vector<16x1xi32>
    %gather3A_686 = vector.shape_cast %broadcast_in_dim3A_685 : vector<16x1xi32> to vector<16xi32>
    %gather3A_687 = tpu.dynamic_gather %get3A_13[%gather3A_686] in [0] : vector<16xf32>, vector<16xi32> -> vector<16xf32>
    %ge3A_688 = arith.constant 48 : i32
    %ge3A_689 = vector.broadcast %ge3A_688 : i32 to vector<16xi32>
    %ge3A_690 = arith.cmpi sge, %get3A_655, %ge3A_689 : vector<16xi32>
    %select_n3A_691 = arith.select %ge3A_690, %gather3A_687, %select_n3A_681 : vector<16xi1>, vector<16xf32>
    %swap3A_692 = arith.constant 240 : index
    %swap3A_693 = tpu.vector_load %arg7[%swap3A_692] {strides = array<i32>} : memref<256xf32, #tpu.memory_space<vmem>>, vector<16xf32>,
    %swap3A_694 = vector.shape_cast %swap3A_693 : vector<16xf32> to vector<16xf32>
    %swap3A_695 = vector.shape_cast %select_n3A_691 : vector<16xf32> to vector<16xf32>
    tpu.vector_store %arg7[%swap3A_692], %swap3A_695 {strides = array<i32>} : memref<256xf32, #tpu.memory_space<vmem>>, vector<16xf32>,
    return
  }
}

module attributes {stable_mosaic.version = 14 : i64} {
  func.func @_selector(%arg0: i32, %arg1: memref<3104x128xf32, #tpu.memory_space<vmem>>, %arg2: memref<1024x2048xf32, #tpu.memory_space<vmem>>, %arg3: memref<1024x64xf32, #tpu.memory_space<vmem>>, %arg4: memref<64x1024xf32, #tpu.memory_space<vmem>>, %arg5: memref<1x64xf32, #tpu.memory_space<vmem>>, %arg6: memref<64x64xf32, #tpu.memory_space<vmem>>, %arg7: memref<1x64xf32, #tpu.memory_space<vmem>>, %arg8: memref<1x32xf32, #tpu.memory_space<vmem>>, %arg9: memref<1x1xf32, #tpu.memory_space<vmem>>, %arg10: memref<1024xi32, #tpu.memory_space<vmem>>, %arg11: memref<64xf32, #tpu.memory_space<vmem>>, %arg12: memref<64x1xf32, #tpu.memory_space<vmem>>) attributes {dimension_semantics = [#tpu.dimension_semantics<arbitrary>], iteration_bounds = array<i64: 8>, scalar_prefetch = 0 : i64, scratch_operands = 1 : i64, tpu.core_type = #tpu.core_type<tc>, window_params = [{pipeline_mode = #tpu.pipeline_mode<synchronous>, transform_indices = @transform_0, window_bounds = array<i64: 3104, 128>}, {transform_indices = @transform_1, window_bounds = array<i64: 1024, 2048>}, {transform_indices = @transform_2, window_bounds = array<i64: 1024, 64>}, {pipeline_mode = #tpu.pipeline_mode<synchronous>, transform_indices = @transform_3, window_bounds = array<i64: 64, 1024>}, {pipeline_mode = #tpu.pipeline_mode<synchronous>, transform_indices = @transform_4, window_bounds = array<i64: 1, 64>}, {pipeline_mode = #tpu.pipeline_mode<synchronous>, transform_indices = @transform_5, window_bounds = array<i64: 64, 64>}, {pipeline_mode = #tpu.pipeline_mode<synchronous>, transform_indices = @transform_6, window_bounds = array<i64: 1, 64>}, {pipeline_mode = #tpu.pipeline_mode<synchronous>, transform_indices = @transform_7, window_bounds = array<i64: 1, 32>}, {pipeline_mode = #tpu.pipeline_mode<synchronous>, transform_indices = @transform_8, window_bounds = array<i64: 1, 1>}, {transform_indices = @transform_9, window_bounds = array<i64: 1024>}, {pipeline_mode = #tpu.pipeline_mode<synchronous>, transform_indices = @transform_10, window_bounds = array<i64: 64>}]} {
    %eq3A = arith.constant 0 : i32
    %eq3A_0 = arith.cmpi eq, %arg0, %eq3A : i32
    %convert_element_type3A = arith.extui %eq3A_0 : i1 to i32
    %cond3A = arith.constant 0 : i32
    %cond3A_1 = arith.cmpi ne, %convert_element_type3A, %cond3A : i32
    scf.if %cond3A_1 {
      %get3A_50 = arith.constant 0 : index
      %get3A_51 = arith.constant 0 : index
      %get3A_52 = vector.load %arg4[%get3A_50, %get3A_51] : memref<64x1024xf32, #tpu.memory_space<vmem>>, vector<64x1024xf32>
      %get3A_53 = arith.constant 2048 : index
      %get3A_54 = arith.constant 0 : index
      %get3A_55 = vector.load %arg1[%get3A_53, %get3A_54] : memref<3104x128xf32, #tpu.memory_space<vmem>>, vector<1024x32xf32>
      %dot_general3A_56 = arith.constant dense<0.000000e+00> : vector<64x32xf32>
      %dot_general3A_57 = tpu.matmul %get3A_52, %get3A_55, %dot_general3A_56 {dimension_numbers = #tpu.dot_dimension_numbers<[1], [0], [0], [1], [0, 0, 1, 1], [], []>, transpose_lhs_hint = false} : vector<64x1024xf32>, vector<1024x32xf32>, vector<64x32xf32> -> vector<64x32xf32>
      %get3A_58 = arith.constant 0 : index
      %get3A_59 = arith.constant 0 : index
      %get3A_60 = vector.load %arg8[%get3A_58, %get3A_59] : memref<1x32xf32, #tpu.memory_space<vmem>>, vector<1x32xf32>
      %add3A_61 = vector.broadcast %get3A_60 : vector<1x32xf32> to vector<64x32xf32>
      %add3A_62 = arith.addf %dot_general3A_57, %add3A_61 : vector<64x32xf32>
      %max3A_63 = arith.constant 0.000000e+00 : f32
      %max3A_64 = vector.broadcast %max3A_63 : f32 to vector<64x32xf32>
      %max3A_65 = arith.maximumf %add3A_62, %max3A_64 : vector<64x32xf32>
      %get3A_66 = arith.constant 3072 : index
      %get3A_67 = arith.constant 0 : index
      %get3A_68 = vector.load %arg1[%get3A_66, %get3A_67] : memref<3104x128xf32, #tpu.memory_space<vmem>>, vector<32x1xf32>
      %dot_general3A_69 = arith.constant dense<0.000000e+00> : vector<64x1xf32>
      %dot_general3A_70 = tpu.matmul %max3A_65, %get3A_68, %dot_general3A_69 {dimension_numbers = #tpu.dot_dimension_numbers<[1], [0], [0], [1], [0, 0, 1, 1], [], []>, transpose_lhs_hint = false} : vector<64x32xf32>, vector<32x1xf32>, vector<64x1xf32> -> vector<64x1xf32>
      %get3A_71 = arith.constant 0 : index
      %get3A_72 = arith.constant 0 : index
      %get3A_73 = vector.load %arg9[%get3A_71, %get3A_72] : memref<1x1xf32, #tpu.memory_space<vmem>>, vector<1x1xf32>
      %add3A_74 = vector.broadcast %get3A_73 : vector<1x1xf32> to vector<64x1xf32>
      %add3A_75 = arith.addf %dot_general3A_70, %add3A_74 : vector<64x1xf32>
      %swap3A_76 = arith.constant 0 : index
      %swap3A_77 = arith.constant 0 : index
      %swap3A_78 = vector.load %arg12[%swap3A_76, %swap3A_77] : memref<64x1xf32, #tpu.memory_space<vmem>>, vector<64x1xf32>
      tpu.vector_store %arg12[%swap3A_76, %swap3A_77], %add3A_75 {strides = array<i32>} : memref<64x1xf32, #tpu.memory_space<vmem>>, vector<64x1xf32>,
    } else {
    }
    %get3A = arith.constant 0 : index
    %get3A_2 = arith.constant 0 : index
    %get3A_3 = vector.load %arg2[%get3A, %get3A_2] : memref<1024x2048xf32, #tpu.memory_space<vmem>>, vector<1024x2048xf32>
    %get3A_4 = arith.constant 0 : index
    %get3A_5 = arith.constant 0 : index
    %get3A_6 = vector.load %arg1[%get3A_4, %get3A_5] : memref<3104x128xf32, #tpu.memory_space<vmem>>, vector<2048x64xf32>
    %dot_general3A = arith.constant dense<0.000000e+00> : vector<1024x64xf32>
    %dot_general3A_7 = tpu.matmul %get3A_3, %get3A_6, %dot_general3A {dimension_numbers = #tpu.dot_dimension_numbers<[1], [0], [0], [1], [0, 0, 1, 1], [], []>, transpose_lhs_hint = false} : vector<1024x2048xf32>, vector<2048x64xf32>, vector<1024x64xf32> -> vector<1024x64xf32>
    %get3A_8 = arith.constant 0 : index
    %get3A_9 = arith.constant 0 : index
    %get3A_10 = vector.load %arg5[%get3A_8, %get3A_9] : memref<1x64xf32, #tpu.memory_space<vmem>>, vector<1x64xf32>
    %add3A = vector.broadcast %get3A_10 : vector<1x64xf32> to vector<1024x64xf32>
    %add3A_11 = arith.addf %dot_general3A_7, %add3A : vector<1024x64xf32>
    %max3A = arith.constant 0.000000e+00 : f32
    %max3A_12 = vector.broadcast %max3A : f32 to vector<1024x64xf32>
    %max3A_13 = arith.maximumf %add3A_11, %max3A_12 : vector<1024x64xf32>
    %get3A_14 = arith.constant 0 : index
    %get3A_15 = arith.constant 0 : index
    %get3A_16 = vector.load %arg6[%get3A_14, %get3A_15] : memref<64x64xf32, #tpu.memory_space<vmem>>, vector<64x64xf32>
    %dot_general3A_17 = arith.constant dense<0.000000e+00> : vector<1024x64xf32>
    %dot_general3A_18 = tpu.matmul %max3A_13, %get3A_16, %dot_general3A_17 {dimension_numbers = #tpu.dot_dimension_numbers<[1], [0], [0], [1], [0, 0, 1, 1], [], []>, transpose_lhs_hint = false} : vector<1024x64xf32>, vector<64x64xf32>, vector<1024x64xf32> -> vector<1024x64xf32>
    %get3A_19 = arith.constant 0 : index
    %get3A_20 = arith.constant 0 : index
    %get3A_21 = vector.load %arg7[%get3A_19, %get3A_20] : memref<1x64xf32, #tpu.memory_space<vmem>>, vector<1x64xf32>
    %add3A_22 = vector.broadcast %get3A_21 : vector<1x64xf32> to vector<1024x64xf32>
    %add3A_23 = arith.addf %dot_general3A_18, %add3A_22 : vector<1024x64xf32>
    %add3A_24 = arith.constant 1.000000e+00 : f32
    %add3A_25 = vector.broadcast %add3A_24 : f32 to vector<1024x64xf32>
    %add3A_26 = arith.addf %add3A_23, %add3A_25 : vector<1024x64xf32>
    %get3A_27 = arith.constant 0 : index
    %get3A_28 = arith.constant 0 : index
    %get3A_29 = vector.load %arg3[%get3A_27, %get3A_28] : memref<1024x64xf32, #tpu.memory_space<vmem>>, vector<1024x64xf32>
    %log3A = math.log %get3A_29 : vector<1024x64xf32>
    %neg3A = arith.constant 0.000000e+00 : f32
    %neg3A_30 = vector.broadcast %neg3A : f32 to vector<1024x64xf32>
    %neg3A_31 = arith.subf %neg3A_30, %log3A : vector<1024x64xf32>
    %log3A_32 = math.log %neg3A_31 : vector<1024x64xf32>
    %neg3A_33 = arith.constant 0.000000e+00 : f32
    %neg3A_34 = vector.broadcast %neg3A_33 : f32 to vector<1024x64xf32>
    %neg3A_35 = arith.subf %neg3A_34, %log3A_32 : vector<1024x64xf32>
    %add3A_36 = arith.addf %add3A_26, %neg3A_35 : vector<1024x64xf32>
    %reduce_max3A = arith.constant dense<0xFF800000> : vector<1024xf32>
    %reduce_max3A_37 = vector.multi_reduction <maximumf>, %add3A_36, %reduce_max3A [1] : vector<1024x64xf32> to vector<1024xf32>
    %broadcast_in_dim3A = vector.shape_cast %reduce_max3A_37 : vector<1024xf32> to vector<1024x1xf32>
    %iota3A = tpu.iota {dimensions = array<i32: 1>} : vector<1024x64xi32>
    %eq3A_38 = vector.broadcast %broadcast_in_dim3A : vector<1024x1xf32> to vector<1024x64xf32>
    %eq3A_39 = arith.cmpf oeq, %add3A_36, %eq3A_38 : vector<1024x64xf32>
    %jit3A = arith.constant 64 : i32
    %broadcast_in_dim3A_40 = vector.broadcast %jit3A : i32 to vector<1024x64xi32>
    %select_n3A = arith.select %eq3A_39, %iota3A, %broadcast_in_dim3A_40 : vector<1024x64xi1>, vector<1024x64xi32>
    %reduce_min3A = arith.constant dense<2147483647> : vector<1024xi32>
    %reduce_min3A_41 = vector.multi_reduction <minsi>, %select_n3A, %reduce_min3A [1] : vector<1024x64xi32> to vector<1024xi32>
    %broadcast_in_dim3A_42 = vector.shape_cast %reduce_min3A_41 : vector<1024xi32> to vector<1024x1xi32>
    %reshape3A = vector.shape_cast %broadcast_in_dim3A_42 : vector<1024x1xi32> to vector<1024xi32>
    %swap3A = arith.constant 0 : index
    %swap3A_43 = vector.load %arg10[%swap3A] : memref<1024xi32, #tpu.memory_space<vmem>>, vector<1024xi32>
    tpu.vector_store %arg10[%swap3A], %reshape3A {strides = array<i32>} : memref<1024xi32, #tpu.memory_space<vmem>>, vector<1024xi32>,
    %get3A_44 = arith.constant 0 : index
    %get3A_45 = arith.constant 0 : index
    %get3A_46 = vector.load %arg12[%get3A_44, %get3A_45] : memref<64x1xf32, #tpu.memory_space<vmem>>, vector<64x1xf32>
    %reshape3A_47 = vector.shape_cast %get3A_46 : vector<64x1xf32> to vector<64xf32>
    %swap3A_48 = arith.constant 0 : index
    %swap3A_49 = vector.load %arg11[%swap3A_48] : memref<64xf32, #tpu.memory_space<vmem>>, vector<64xf32>
    tpu.vector_store %arg11[%swap3A_48], %reshape3A_47 {strides = array<i32>} : memref<64xf32, #tpu.memory_space<vmem>>, vector<64xf32>,
    return
  }
  func.func @transform_0(%arg0: i32) -> (i32, i32) {
    %c0_i32 = arith.constant 0 : i32
    %c0_i32_0 = arith.constant 0 : i32
    %c0_i32_1 = arith.constant 0 : i32
    return %c0_i32, %c0_i32_0 : i32, i32
  }
  func.func @transform_1(%arg0: i32) -> (i32, i32) {
    %c0_i32 = arith.constant 0 : i32
    %c0_i32_0 = arith.constant 0 : i32
    return %arg0, %c0_i32 : i32, i32
  }
  func.func @transform_2(%arg0: i32) -> (i32, i32) {
    %c0_i32 = arith.constant 0 : i32
    %c0_i32_0 = arith.constant 0 : i32
    return %arg0, %c0_i32 : i32, i32
  }
  func.func @transform_3(%arg0: i32) -> (i32, i32) {
    %c0_i32 = arith.constant 0 : i32
    %c0_i32_0 = arith.constant 0 : i32
    %c0_i32_1 = arith.constant 0 : i32
    return %c0_i32, %c0_i32_0 : i32, i32
  }
  func.func @transform_4(%arg0: i32) -> (i32, i32) {
    %c0_i32 = arith.constant 0 : i32
    %c0_i32_0 = arith.constant 0 : i32
    %c0_i32_1 = arith.constant 0 : i32
    return %c0_i32, %c0_i32_0 : i32, i32
  }
  func.func @transform_5(%arg0: i32) -> (i32, i32) {
    %c0_i32 = arith.constant 0 : i32
    %c0_i32_0 = arith.constant 0 : i32
    %c0_i32_1 = arith.constant 0 : i32
    return %c0_i32, %c0_i32_0 : i32, i32
  }
  func.func @transform_6(%arg0: i32) -> (i32, i32) {
    %c0_i32 = arith.constant 0 : i32
    %c0_i32_0 = arith.constant 0 : i32
    %c0_i32_1 = arith.constant 0 : i32
    return %c0_i32, %c0_i32_0 : i32, i32
  }
  func.func @transform_7(%arg0: i32) -> (i32, i32) {
    %c0_i32 = arith.constant 0 : i32
    %c0_i32_0 = arith.constant 0 : i32
    %c0_i32_1 = arith.constant 0 : i32
    return %c0_i32, %c0_i32_0 : i32, i32
  }
  func.func @transform_8(%arg0: i32) -> (i32, i32) {
    %c0_i32 = arith.constant 0 : i32
    %c0_i32_0 = arith.constant 0 : i32
    %c0_i32_1 = arith.constant 0 : i32
    return %c0_i32, %c0_i32_0 : i32, i32
  }
  func.func @transform_9(%arg0: i32) -> i32 {
    %c0_i32 = arith.constant 0 : i32
    return %arg0 : i32
  }
  func.func @transform_10(%arg0: i32) -> i32 {
    %c0_i32 = arith.constant 0 : i32
    %c0_i32_0 = arith.constant 0 : i32
    return %c0_i32 : i32
  }
}

</mosaic_0001>

<sc_bundles>
// kernel: kernel.4.cloned.1.call-start
scs
__scs_entry_jumppad:
0x0: {  	(pc) =	sbr.rel $0x88, $3  }
0x1: {  	(tag) =	ssettag $0x0;
	lr =	simm.s32 $0x1  }
0x2: {  	[smem:$0x3F96] =	sst lr;
	_ =	strace $0xD0000000  }
0x3: {  	_ = 	snop  }
0x4: {  	_ = 	snop  }
0x5: {  	_ = 	snop  }
0x6: {  	_ = 	snop  }
0x7: {  	_ = 	snop  }
__scs_overlays_trampoline_lowered:
0x8: {  	[smem:$0x3FA5] =	sst s0  }
0x9: {  	[smem:$0x3FA6] =	sst s1  }
0xa: {  	[smem:$0x3FA7] =	sst s2  }
0xb: {  	[smem:$0x3FA8] =	sst s3  }
0xc: {  	[smem:$0x3FA9] =	sst s4  }
0xd: {  	[smem:$0x3FAA] =	sst s5  }
0xe: {  	[smem:$0x3FAB] =	sst s6  }
0xf: {  	[smem:$0x3FAC] =	sst s7  }
0x10: {  	[smem:$0x3FAD] =	sst s8  }
0x11: {  	[smem:$0x3FAE] =	sst s9;
	s0 =	simm.s32 @!p0 $0x0  }
0x12: {  	s1 =	sld [smem:$0x3F94];
	s0 =	simm.s32 @p0 $0x1  }
0x13: {  	[smem:$0x3FAF] =	sst s0;
	s0 =	simm.s32 @!p1 $0x0  }
0x14: {  	s2 =	sld [smem:$0x3F93];
	s0 =	simm.s32 @p1 $0x1  }
0x15: {  	[smem:$0x3FB0] =	sst s0;
	s0 =	simm.s32 @!p2 $0x0  }
0x16: {  	s3 =	sld [smem:$0x3FDB];
	s0 =	simm.s32 @p2 $0x1  }
0x17: {  	s4 =	simm.s32 $0x1BF5;
	[smem:$0x3FB2] =	sst s0  }
0x18: {  	s0 =	sld [smem:$0x3F95];
	_ =	swait.ge [sflag:s4], $0x0  }
0x19: {  	s7 =	sld [smem:$0x3F96]  }
0x1a: {  	s8 =	sadd.s32 $0xFFFFE003, lr  }
0x1b: {  	s9 =	sadd.s32 $0xFFFFFEF7, lr;
	s5 =	simm.s32 $0xFFFFFFFF;
	p2 =	slt.u32 s8, $0xFFFFF086  }
0x1c: {  	p1 =	slt.u32 s9, $0xF7A;
	s5 =	simm.s32 @!p2 $0x0  }
0x1d: {  	s5 =	simm.s32 @p1 $0x1;
	p0 =	seq.s32 s7, s2  }
0x1e: {  	s7 =	smul.u32 @!p0 $0xF7A, s2;
	p2 =	seq.s32 @!p0 s5, $0x0  }
0x1f: {  	s9 =	smul.u32 $0xF7A, s1;
	s8 =	simm.s32 @!p0 $0x1BF5;
	p2 =	por !p2, p0  }
0x20: {  	[sflag:s8] =	ssyncset.s32 @!p0 $0xFFFFF086;
	s6 =	sadd.s32 @!p0 s3, s7;
	s7 =	simm.s32 @!p0 $0x108  }
0x21: {  	s3 =	sadd.s32 s3, s9;
	s6 =	sadd.s32 @!p0 $0x88, s6;
	s7 =	simm.s32 @p2 $0x1082  }
0x22: {  	[simem:s7], [sflag:s8] =	dma.local @!p0 [hbm:s6], $0xF7A  }
0x23: {  	s9 =	sor.u32 $0xD0000000, s2;
	s6 =	simm.s32 $0x108;
	_ =	swait.ge @!p0 [sflag:s8], $0x0  }
0x24: {  	s3 =	sadd.s32 $0x88, s3;
	s6 =	simm.s32 @!p1 $0x1082;
	[sflag:s4] =	ssyncset.s32 $0xFFFFF086  }
0x25: {  	[simem:s6], [sflag:s4] =	dma.local [hbm:s3], $0xF7A  }
0x26: {  	[smem:$0x3F96] =	sst s1;
	(tag) =	ssettag s2;
	_ =	strace s9  }
0x27: {  	s1 =	sld [smem:$0x3FA6]  }
0x28: {  	s2 =	sld [smem:$0x3FA7]  }
0x29: {  	s4 =	sld [smem:$0x3FA9]  }
0x2a: {  	p0 =	seq.s32 s5, $0x0;
	s5 =	sld [smem:$0x3FAA]  }
0x2b: {  	s6 =	sld [smem:$0x3FAB]  }
0x2c: {  	s7 =	sld [smem:$0x3FAC]  }
0x2d: {  	s3 =	simm.s32 $0x108;
	s8 =	sld [smem:$0x3FAD]  }
0x2e: {  	s3 =	simm.s32 @!p0 $0x1082;
	s9 =	sld [smem:$0x3FAE]  }
0x2f: {  	lr =	sadd.s32 s0, s3;
	s0 =	sld [smem:$0x3FA5]  }
0x30: {  	s3 =	sld [smem:$0x3FA8]  }
0x31: {  	[smem:$0x3FB1] =	sst s10  }
0x32: {  	s10 =	sld [smem:$0x3FAF];
	_ =	sdelay $0x3  }
0x33: {  	p0 =	seq.s32 s10, $0x1;
	s10 =	sld [smem:$0x3FB1];
	_ =	sdelay $0x3  }
0x34: {  	[smem:$0x3FB1] =	sst s10  }
0x35: {  	s10 =	sld [smem:$0x3FB0];
	_ =	sdelay $0x3  }
0x36: {  	p1 =	seq.s32 s10, $0x1;
	s10 =	sld [smem:$0x3FB1];
	_ =	sdelay $0x3  }
0x37: {  	[smem:$0x3FB1] =	sst s10  }
0x38: {  	s10 =	sld [smem:$0x3FB2]  }
0x39: {  	_ = 	snop;
	(pc) =	sbr.ind lr, $3  }
0x3a: {  	_ = 	snop  }
0x3b: {  	_ = 	snop  }
0x3c: {  	p2 =	seq.s32 s10, $0x1;
	s10 =	sld [smem:$0x3FB1]  }
0x3d: {  	_ =	shalt  }
0x3e: {  	_ =	shalt  }
0x3f: {  	_ =	shalt  }
0x40: {  	_ =	shalt  }
0x41: {  	_ =	shalt  }
0x42: {  	_ =	shalt  }
0x43: {  	_ =	shalt  }
0x44: {  	_ =	shalt  }
0x45: {  	_ =	shalt  }
0x46: {  	_ =	shalt  }
0x47: {  	_ =	shalt  }
0x48: {  	_ =	shalt  }
0x49: {  	_ =	shalt  }
0x4a: {  	_ =	shalt  }
0x4b: {  	_ =	shalt  }
0x4c: {  	_ =	shalt  }
0x4d: {  	_ =	shalt  }
0x4e: {  	_ =	shalt  }
0x4f: {  	_ =	shalt  }
0x50: {  	_ =	shalt  }
0x51: {  	_ =	shalt  }
0x52: {  	_ =	shalt  }
0x53: {  	_ =	shalt  }
0x54: {  	_ =	shalt  }
0x55: {  	_ =	shalt  }
0x56: {  	_ =	shalt  }
0x57: {  	_ =	shalt  }
0x58: {  	_ =	shalt  }
0x59: {  	_ =	shalt  }
0x5a: {  	_ =	shalt  }
0x5b: {  	_ =	shalt  }
0x5c: {  	_ =	shalt  }
0x5d: {  	_ =	shalt  }
0x5e: {  	_ =	shalt  }
0x5f: {  	_ =	shalt  }
0x60: {  	_ =	shalt  }
0x61: {  	_ =	shalt  }
0x62: {  	_ =	shalt  }
0x63: {  	_ =	shalt  }
0x64: {  	_ =	shalt  }
0x65: {  	_ =	shalt  }
0x66: {  	_ =	shalt  }
0x67: {  	_ =	shalt  }
0x68: {  	_ =	shalt  }
0x69: {  	_ =	shalt  }
0x6a: {  	_ =	shalt  }
0x6b: {  	_ =	shalt  }
0x6c: {  	_ =	shalt  }
0x6d: {  	_ =	shalt  }
0x6e: {  	_ =	shalt  }
0x6f: {  	_ =	shalt  }
0x70: {  	_ =	shalt  }
0x71: {  	_ =	shalt  }
0x72: {  	_ =	shalt  }
0x73: {  	_ =	shalt  }
0x74: {  	_ =	shalt  }
0x75: {  	_ =	shalt  }
0x76: {  	_ =	shalt  }
0x77: {  	_ =	shalt  }
0x78: {  	_ =	shalt  }
0x79: {  	_ =	shalt  }
0x7a: {  	_ =	shalt  }
0x7b: {  	_ =	shalt  }
0x7c: {  	_ =	shalt  }
0x7d: {  	_ =	shalt  }
0x7e: {  	_ =	shalt  }
0x7f: {  	_ =	shalt  }
0x80: {  	_ =	shalt  }
0x81: {  	_ =	shalt  }
0x82: {  	_ =	shalt  }
0x83: {  	_ =	shalt  }
0x84: {  	_ =	shalt  }
0x85: {  	_ =	shalt  }
0x86: {  	_ =	shalt  }
0x87: {  	_ =	shalt  }
.Lfunc_end0:
.L_simem_size_0:
called_computation_lowered:
.L_overlay_start_0:
0x88: {  	s2 =	sld [smem:$0x3FD9]  }
0x89: {  	s3 =	sld [smem:$0x3FFE];
	_ =	sdelay $0x1  }
0x8a: {  	s1 =	srdreg.scid  }
0x8b: {  	s0 =	sand.u32 $0x1, s1  }
0x8c: {  	s16 =	sshll.u32 s0, $0xA;
	s2 =	sadd.s32 s3, s2  }
0x8d: {  	s2 =	sadd.s32 s2, s16  }
0x8e: {  	[smem:$0x3FBD] =	sst s2  }
0x8f: {  	_ = 	snop  }
0x90: {  	(tm) =	ssettm $0x1  }
0x91: {  	s17 =	sld [smem:$0x3FFB];
	_ =	sdelay $0x3  }
0x92: {  	_ =	strace s17  }
0x93: {  	s2 =	sld [smem:$0x3FFC];
	_ =	sdelay $0x3  }
0x94: {  	_ =	strace s2  }
0x95: {  	s2 =	sld [smem:$0x3FFD];
	_ =	sdelay $0x3  }
0x96: {  	_ =	strace s2  }
0x97: {  	_ =	strace $0x8FFFFFFF  }
0x98: {  	s18 =	sld [smem:$0x3FDB];
	_ =	sdelay $0x1  }
0x99: {  	s19 =	simm.s32 $_scs_section_size  }
0x9a: {  	s4 =	simm.s32 $_size__tile_overlayer_lowered;
	s5 =	simm.s32 $_tile_overlayer_lowered  }
0x9b: {  	s22 =	simm.s32 $0x1BFF;
	s21 =	sshll.u32 s5, $0x1;
	s2 =	sadd.s32 s19, s18  }
0x9c: {  	s6 =	simm.s32 $0x0;
	s20 =	sshll.u32 s4, $0x1;
	s4 =	sadd.s32 s21, s2  }
0x9d: {  	[timem:s6], [sflag:s22] =	dma.local [hbm:s4], s20  }
0x9e: {  	_ =	swait.ge [sflag:s22], s20  }
0x9f: {  	s3 =	ssub.s32 $0x0, s20;
	[sflag:s22] =	ssyncset.done $0x0  }
0xa0: {  	[sflag:s22] =	ssyncadd.s32 s3;
	_ =	sdelay $0x1  }
0xa1: {  	s23 =	simm.s32 $0x1B8B  }
0xa2: {  	_ =	swait.ge [sflag:s23], $0x1  }
0xa3: {  	[sflag:s23] =	ssyncset.done $0x0  }
0xa4: {  	s25 =	simm.s32 $0x1B8E;
	s24 =	sld [smem:$0x3FFE];
	[sflag:s23] =	ssyncadd.s32 $0xFFFFFFFF  }
0xa5: {  	s26 =	simm.s32 $execute0_lowered;
	[smem:$0x3FD2] =	sst s25  }
0xa6: {  	s4 =	sshll.u32 s26, $0x1;
	_ =	strace $0x80000046;
	[dreg:$0x1] =	wrdreg $0xFFFFFFFF  }
0xa7: {  	s28 =	simm.s32 $_size_execute0_lowered;
	s2 =	sadd.s32 s2, s4;
	[dreg:$0x0] =	wrdreg $0x0  }
0xa8: {  	s4 =	sshll.u32 s28, $0x1;
	[dreg:$0x2] =	wrdreg s2  }
0xa9: {  	[dreg:$0x3] =	wrdreg s4  }
0xaa: {  	[dreg:$0x4] =	wrdreg $0xC0  }
0xab: {  	_ =	task [dreg:s6], $0x5FFFF  }
0xac: {  	[dreg:$0x1] =	wrdreg $0xFFFFFFFF  }
0xad: {  	[dreg:$0x0] =	wrdreg $0x60  }
0xae: {  	[dreg:$0x2] =	wrdreg s24  }
0xaf: {  	[dreg:$0x3] =	wrdreg $0x9  }
0xb0: {  	_ =	task.clear_ibuf [dreg:s6], $0x4FFFF;
	_ =	strace $0x90000046  }
0xb1: {  	s29 =	simm.s32 $0x9;
	_ =	strace $0x80000048  }
0xb2: {  	_ =	swait.ge [sflag:s29], $0x1  }
0xb3: {  	[sflag:s29] =	ssyncadd.s32 $0xFFFFFFFF  }
0xb4: {  	_ =	strace $0x90000048  }
0xb5: {  	_ =	sfence  }
0xb6: {  	s30 =	sld [smem:$0x0];
	_ =	sdelay $0x2  }
0xb7: {  	s31 =	sshll.u32 s1, $0xD;
	s1 =	sshrl.u32 s1, $0x2  }
0xb8: {  	s3 =	sand.u32 $0x4000, s31;
	s1 =	sadd.s32 s1, s30  }
0xb9: {  	s0 =	sor.u32 s3, s0;
	s1 =	sshll.u32 s1, $0x11  }
0xba: {  	s0 =	sor.u32 s1, s0  }
0xbb: {  	s0 =	sadd.s32 $0x8F2B, s0  }
0xbc: {  	[sflag:s0] =	ssyncadd.remote.s32 $0x1  }
0xbd: {  	_ =	sfence.sel $0xFFFF  }
0xbe: {  	[dreg:$0x0] =	wrdreg $0xFFFFFFFF;
	(pc) =	sbr.abs _section_cstart, $3  }
0xbf: {  	[dreg:$0x1] =	wrdreg $0xFFFFFFFF  }
0xc0: {  	_ =	task.clear_ibuf [dreg:s6], $0x2FFFF;
	_ =	strace $0x9FFFFFFF  }
0xc1: {  	(tm) =	ssettm $0x7FFFFFFF  }
tec
execute0_lowered:
.L_overlay_start_1:
0x0: {  	(tag) =	ssettag $0x1  }
0x1: {  	s3 =	rddreg [dreg:$0x0];
	s1 =	srdreg.scid  }
0x2: {  	s0 =	rddreg [dreg:$0x1];
	s2 =	simm.s32 $0x0;
	s4 =	sand.u32 $0x1, s1  }
0x3: {  	[smem:$0x7FF] =	sst s2;
	s1 =	stileid.u32;
	s5 =	sshll.u32 s4, $0x5  }
0x4: {  	s4 =	ssub.s32 $0x2, s4;
	s6 =	sshll.u32 s1, $0x6;
	_ =	strace $0x80000047  }
0x5: {  	s5 =	sadd.s32 s5, s3;
	s7 =	sshrl.u32 s4, $0x1;
	s3 =	sadd.s32 $0x1A00, s3  }
0x6: {  	s5 =	sadd.s32 s6, s5;
	s31 =	ssub.s32 s4, s7;
	s6 =	simm.s32 $0x100  }
0x7: {  	s7 =	simm.s32 $0x1;
	s4 =	sadd.s32 $0x1600, s5;
	s5 =	smax.u32 s31, $0x1  }
.LBB2_1:
0x8: {  	[tilespmem:s6], [sflag:$0x1] =	stream.linear.gather [hbm4b:s3+s2], $0x80, $0x38;
	[tilespmem:$0x280] =	vst v63  }
0x9: {  	_ =	swait.ge [sflag:s7], $0x80  }
0xa: {  	[sflag:s7] =	ssyncset.done $0x0  }
0xb: {  	[sflag:s7] =	ssyncadd.s32 $0xFFFFFF80  }
0xc: {  	[tilespmem:s2], [sflag:$0x1] =	stream.linear.gather [hbm4b:s4+s2], $0x100, $0x38;
	[tilespmem:$0x280] =	vst v63  }
0xd: {  	_ =	swait.ge [sflag:s7], $0x100  }
0xe: {  	[sflag:s7] =	ssyncset.done $0x0  }
0xf: {  	[sflag:s7] =	ssyncadd.s32 $0xFFFFFF00  }
0x10: {  	v2 =	vld [tilespmem:$0x100]  }
0x11: {  	v4 =	vld [tilespmem:$0x0]  }
0x12: {  	v3 =	vld [tilespmem:$0x110]  }
0x13: {  	v5 =	vld [tilespmem:$0x10]  }
0x14: {  	v1 =	vld [tilespmem:$0x120]  }
0x15: {  	v10 =	vld [tilespmem:$0x20]  }
0x16: {  	v0 =	vld [tilespmem:$0x130]  }
0x17: {  	v12 =	vld [tilespmem:$0x30];
	v6 =	vand.u32 $0xF, v4  }
0x18: {  	vm0 =	vgt.s32 v4, $0xF;
	vm7 =	vgt.s32 v4, $0x1F;
	v28 =	vand.u32 $0xF, v5  }
0x19: {  	vm8 =	vgt.s32 v4, $0x2F;
	vm9 =	vgt.s32 v5, $0xF;
	vm10 =	vgt.s32 v5, $0x1F  }
0x1a: {  	v32 =	vand.u32 $0xF, v10;
	vm11 =	vgt.s32 v5, $0x2F;
	v7 =	vperm.xlane v2, v6  }
0x1b: {  	v35 =	vld [tilespmem:$0x40];
	vm1 =	vgt.s32 v10, $0xF;
	v8 =	vperm.xlane v3, v6;
	v9 =	vperm.xlane v1, v6  }
0x1c: {  	v13 =	vand.u32 $0xF, v12;
	v6 =	vperm.xlane v0, v6;
	v29 =	vperm.xlane v2, v28  }
0x1d: {  	vm12 =	vgt.s32 v10, $0x1F;
	v11 =	vperm.xlane v3, v28;
	v30 =	vperm.xlane v1, v28  }
0x1e: {  	v39 =	vld [tilespmem:$0x50];
	vm13 =	vgt.s32 v12, $0xF;
	v33 =	vperm.xlane v2, v32;
	v34 =	vperm.xlane v3, v32  }
0x1f: {  	v44 =	vld [tilespmem:$0x60];
	vm14 =	vgt.s32 v10, $0x2F;
	v36 =	vperm.xlane v1, v32;
	v14 =	vperm.xlane v2, v13  }
0x20: {  	v41 =	vand.u32 $0xF, v35;
	v15 =	vperm.xlane v3, v13;
	v37 =	vperm.xlane v0, v32  }
0x21: {  	v52 =	vld [tilespmem:$0x70];
	vm15 =	vgt.s32 v12, $0x1F;
	v40 =	vperm.xlane v1, v13;
	v13 =	vperm.xlane v0, v13  }
0x22: {  	vm4 =	vgt.s32 v12, $0x2F;
	v42 =	vperm.xlane v2, v41;
	v16 =	vperm.xlane v3, v41  }
0x23: {  	v17 =	vld [tilespmem:$0x80];
	v47 =	vand.u32 $0xF, v39;
	v45 =	vperm.xlane v1, v41;
	v46 =	vperm.xlane v0, v41  }
0x24: {  	v61 =	vld [tilespmem:$0x90];
	v53 =	vand.u32 $0xF, v44;
	v48 =	vperm.xlane v2, v47;
	v49 =	vperm.xlane v3, v47  }
0x25: {  	vm2 =	vgt.s32 v35, $0xF;
	v51 =	vperm.xlane v1, v47;
	v54 =	vperm.xlane v2, v53  }
0x26: {  	v58 =	vand.u32 $0xF, v52;
	v55 =	vperm.xlane v3, v53;
	v56 =	vperm.xlane v1, v53  }
0x27: {  	vm5 =	vgt.s32 v35, $0x1F;
	v57 =	vperm.xlane v0, v53;
	v59 =	vperm.xlane v2, v58  }
0x28: {  	v63 =	vand.u32 $0xF, v17;
	v60 =	vperm.xlane v3, v58;
	v62 =	vperm.xlane v1, v58  }
0x29: {  	v19 =	vand.u32 $0xF, v61;
	v23 =	vperm.xlane v2, v63;
	v18 =	vperm.xlane v3, v63  }
0x2a: {  	vm6 =	vgt.s32 v35, $0x2F;
	v25 =	vperm.xlane v1, v63;
	v20 =	vperm.xlane v2, v19  }
0x2b: {  	v21 =	vperm.xlane v3, v19;
	v26 =	vperm.xlane v0, v63;
	v7 =	vsel vm0, v8, v7  }
0x2c: {  	v31 =	vsel vm9, v11, v29;
	v8 =	vperm.xlane v0, v28;
	v38 =	vsel vm13, v15, v14  }
0x2d: {  	v43 =	vsel vm2, v16, v42;
	v14 =	vperm.xlane v0, v47;
	vm9 =	vgt.s32 v39, $0x2F  }
0x2e: {  	v24 =	vld [tilespmem:$0xA0];
	vm13 =	vgt.s32 v52, $0xF;
	v29 =	vperm.xlane v1, v19;
	v19 =	vperm.xlane v0, v19  }
0x2f: {  	v7 =	vsel vm7, v9, v7;
	v9 =	vsel vm15, v40, v38;
	vm7 =	vgt.s32 v39, $0xF  }
0x30: {  	v11 =	vsel vm13, v60, v59;
	vm15 =	vgt.s32 v52, $0x2F;
	v4 =	vsel vm8, v6, v7  }
0x31: {  	v6 =	vsel vm10, v30, v31;
	v7 =	vsel vm1, v34, v33;
	v50 =	vsel vm7, v49, v48  }
0x32: {  	vm8 =	vgt.s32 v39, $0x1F;
	vm10 =	vgt.s32 v44, $0xF;
	vm7 =	vgt.s32 v17, $0x2F  }
0x33: {  	v30 =	vand.u32 $0xF, v24;
	v6 =	vsel vm11, v8, v6;
	v7 =	vsel vm12, v36, v7  }
0x34: {  	v8 =	vsel vm4, v13, v9;
	v9 =	vsel vm5, v45, v43;
	v12 =	vsel vm10, v55, v54  }
0x35: {  	vm11 =	vgt.s32 v44, $0x1F;
	vm12 =	vgt.s32 v44, $0x2F;
	vm4 =	vgt.s32 v17, $0xF  }
0x36: {  	vm5 =	vgt.s32 v17, $0x1F;
	v31 =	vperm.xlane v2, v30;
	v22 =	vperm.xlane v3, v30  }
0x37: {  	vm10 =	vgt.s32 v24, $0xF;
	v35 =	vperm.xlane v1, v30;
	v36 =	vperm.xlane v0, v30  }
0x38: {  	v28 =	vld [tilespmem:$0xB0];
	v7 =	vsel vm14, v37, v7;
	v5 =	vsel vm6, v46, v9;
	v9 =	vsel vm8, v51, v50  }
0x39: {  	v42 =	vld [tilespmem:$0xD0];
	v10 =	vsel vm11, v56, v12;
	vm14 =	vgt.s32 v52, $0x1F;
	v12 =	vsel vm4, v18, v23  }
0x3a: {  	v47 =	vld [tilespmem:$0xE0];
	vm6 =	vgt.s32 v61, $0xF;
	vm8 =	vgt.s32 v61, $0x1F;
	vm11 =	vgt.s32 v24, $0x1F  }
0x3b: {  	v9 =	vsel vm9, v14, v9;
	v10 =	vsel vm12, v57, v10;
	v11 =	vsel vm14, v62, v11  }
0x3c: {  	v14 =	vperm.xlane v0, v58;
	v12 =	vsel vm5, v25, v12;
	v27 =	vsel vm6, v21, v20  }
0x3d: {  	vm9 =	vgt.s32 v61, $0x2F;
	v33 =	vsel vm10, v22, v31;
	v37 =	vand.u32 $0xF, v28  }
0x3e: {  	vm12 =	vgt.s32 v24, $0x2F;
	vm13 =	vgt.s32 v28, $0xF;
	vm14 =	vgt.s32 v28, $0x1F  }
0x3f: {  	v51 =	vand.u32 $0xF, v42;
	v56 =	vand.u32 $0xF, v47;
	v38 =	vperm.xlane v2, v37  }
0x40: {  	vm10 =	vgt.s32 v42, $0x2F;
	v39 =	vperm.xlane v3, v37;
	v41 =	vperm.xlane v1, v37  }
0x41: {  	v34 =	vld [tilespmem:$0xC0];
	v15 =	vsel vm8, v29, v27;
	v20 =	vperm.xlane v0, v37;
	v52 =	vperm.xlane v2, v51  }
0x42: {  	v12 =	vsel vm7, v26, v12;
	v53 =	vperm.xlane v3, v51;
	v54 =	vperm.xlane v1, v51  }
0x43: {  	vm7 =	vgt.s32 v42, $0xF;
	v57 =	vperm.xlane v2, v56;
	v58 =	vperm.xlane v3, v56  }
0x44: {  	[tilespmem:$0x180] =	vst v4;
	vm8 =	vgt.s32 v42, $0x1F;
	v59 =	vperm.xlane v0, v51;
	v60 =	vperm.xlane v1, v56  }
0x45: {  	[tilespmem:$0x190] =	vst v6;
	v62 =	vperm.xlane v0, v56;
	v11 =	vsel vm15, v14, v11;
	v32 =	vsel vm9, v19, v15  }
0x46: {  	v55 =	vld [tilespmem:$0xF0];
	[tilespmem:$0x1B0] =	vst v8;
	v15 =	vsel vm11, v35, v33;
	v43 =	vand.u32 $0xF, v34;
	vm15 =	vgt.s32 v28, $0x2F  }
0x47: {  	[tilespmem:$0x1A0] =	vst v7;
	vm4 =	vgt.s32 v34, $0xF;
	vm5 =	vgt.s32 v34, $0x1F;
	vm6 =	vgt.s32 v34, $0x2F  }
0x48: {  	[tilespmem:$0x1C0] =	vst v5;
	vm9 =	vgt.s32 v47, $0xF;
	vm11 =	vgt.s32 v47, $0x1F;
	v13 =	vsel vm12, v36, v15  }
0x49: {  	[tilespmem:$0x1D0] =	vst v9;
	v40 =	vsel vm13, v39, v38;
	v44 =	vperm.xlane v2, v43;
	v45 =	vperm.xlane v3, v43  }
0x4a: {  	[tilespmem:$0x1E0] =	vst v10;
	v46 =	vperm.xlane v1, v43;
	v50 =	vperm.xlane v0, v43;
	v8 =	vsel vm7, v53, v52  }
0x4b: {  	[tilespmem:$0x200] =	vst v12;
	v61 =	vand.u32 $0xF, v55;
	vm12 =	vgt.s32 v47, $0x2F;
	vm13 =	vgt.s32 v55, $0xF  }
0x4c: {  	[tilespmem:$0x1F0] =	vst v11;
	v15 =	vsel vm14, v41, v40;
	v5 =	vsel vm8, v54, v8;
	v2 =	vperm.xlane v2, v61  }
0x4d: {  	[tilespmem:$0x210] =	vst v32;
	v8 =	vsel vm9, v58, v57;
	v3 =	vperm.xlane v3, v61;
	v1 =	vperm.xlane v1, v61  }
0x4e: {  	p0 =	sne.s32 s5, $0x1;
	[tilespmem:$0x220] =	vst v13;
	v0 =	vperm.xlane v0, v61;
	vm14 =	vgt.s32 v55, $0x1F;
	v48 =	vsel vm15, v20, v15  }
.Ltmp0:
0x4f: {  	v49 =	vsel vm4, v45, v44;
	v5 =	vsel vm10, v59, v5;
	v8 =	vsel vm11, v60, v8;
	[tilespmem:$0x230] =	vst v48;
	(pc) =	sbr.rel @p0 .LBB2_1-.Ltmp0, $4  }
0x50: {  	v4 =	vsel vm5, v46, v49;
	v2 =	vsel vm13, v3, v2;
	v63 =	vsel vm12, v62, v8;
	[tilespmem:$0x250] =	vst v5  }
0x51: {  	vm15 =	vgt.s32 v55, $0x2F;
	v4 =	vsel vm6, v50, v4;
	v1 =	vsel vm14, v1, v2;
	[tilespmem:$0x260] =	vst v63  }
0x52: {  	[tilespmem:$0x240] =	vst v4;
	v0 =	vsel vm15, v0, v1  }
0x53: {  	s5 =	sadd.s32 $0xFFFFFFFF, s5;
	[tilespmem:$0x270] =	vst v0  }
0x54: {  	_ =	sfence.sel $0x180000  }
0x55: {  	[bflag:$0x0] =	sbarrier.arrive $0xFFFF  }
0x56: {  	p0 =	sne.s32 s1, $0x0;
	_ =	strace $0x90000047  }
0x57: {  	s0 =	sadd.s32 @!p0 $0x100000, s0;
	[bflag:$0x2] =	sbarrier.arrive $0xFFFF  }
0x58: {  	[sflag:s0] =	ssyncadd.tile.s32 @!p0 $0x1;
	_ =	shalt  }
.Lfunc_end2:
_tile_overlayer_lowered:
.L_overlay_start_2:
0x59: {  	(tag) =	ssettag $0x2  }
0x5a: {  	s0 =	rddreg [dreg:$0x0];
	s2 =	stileid.u32  }
0x5b: {  	s1 =	rddreg [dreg:$0x1];
	p0 =	sne.s32 s2, $0x0  }
0x5c: {  	s3 =	rddreg [dreg:$0x2];
	[bflag:$0x3] =	sbarrier.arrive $0xFFFF;
	s2 =	simm.s32 @!p0 $0x1C01  }
0x5d: {  	[timem:s3], [sflag:s2] =	dma.local @!p0 [hbm:s0], s1  }
0x5e: {  	s0 =	simm.s32 @!p0 $0x1  }
0x5f: {  	_ =	swait.ge @!p0 [sflag:s0], s1  }
0x60: {  	s1 =	ssub.s32 @!p0 $0x0, s1;
	[sflag:s0] =	ssyncset.done @!p0 $0x0  }
0x61: {  	[sflag:s0] =	ssyncadd.s32 @!p0 s1  }
0x62: {  	[bflag:$0x3] =	sbarrier.arrive $0xFFFF  }
0x63: {  	_ =	shalt  }

</sc_bundles>
